<compile_context>
chip_gen: v7x
topology: tpu7x:2x2x1
jax: 0.10.2.dev20260603
libtpu: 0.0.44.dev20260713+nightly
codegen_flags: <defaults>
</compile_context>

<pallas_src>
import functools

import jax
import jax.numpy as jnp
from jax import lax
from jax.experimental import pallas as pl
from jax.experimental.pallas import tpu as pltpu
from jax.experimental.pallas import tpu_sc as plsc

V = 1000
VP = 1024
B = 32
T = 1024
NTOK = B * T

_info = plsc.get_sparse_core_info()
NC = _info.num_cores
NS = _info.num_subcores
L = _info.num_lanes
NW = NC * NS
BPW = NTOK // NW
CH = 8
NB = 8
NCH = BPW // CH
PK = 128


def _row_lse_body(tab_ref, out_ref):
    x = tab_ref[...]
    m = jnp.max(x, axis=1)
    s = jnp.sum(jnp.exp(x - m[:, None]), axis=1)
    out_ref[...] = jnp.log(s) + m


def _row_lse(table):
    return pl.pallas_call(
        _row_lse_body,
        out_shape=jax.ShapeDtypeStruct((V,), jnp.float32),
    )(table)


@functools.partial(
    pl.kernel,
    mesh=plsc.VectorSubcoreMesh(core_axis_name="c", subcore_axis_name="s"),
    compiler_params=pltpu.CompilerParams(
        use_tc_tiling_on_sc=True, needs_layout_passes=False),
    out_type=[
        jax.ShapeDtypeStruct((NTOK, VP), jnp.float32),
        jax.ShapeDtypeStruct((NW, L), jnp.float32),
    ],
    scratch_types=[
        pltpu.VMEM((BPW,), jnp.int32),
        pltpu.VMEM((BPW,), jnp.int32),
        pltpu.VMEM((BPW,), jnp.int32),
        pltpu.VMEM((NB, CH, VP), jnp.float32),
        pltpu.VMEM((BPW,), jnp.float32),
        pltpu.VMEM((V,), jnp.float32),
        pltpu.VMEM((L,), jnp.float32),
        pltpu.SemaphoreType.DMA((NB,)),
        pltpu.SemaphoreType.DMA((NB,)),
        pltpu.SemaphoreType.DMA,
    ],
)
def _sc_gather(idx_hbm, tgt_hbm, lse_hbm, table_hbm, tflat_hbm,
               out_hbm, part_hbm,
               idx_v, tgt_v, fidx_v, rows_v,
               pick_v, lse_v, acc_v, gsem_v, wsem_v, psem):
    bufs = [rows_v.at[s] for s in range(NB)]
    gsems = [gsem_v.at[s] for s in range(NB)]
    wsems = [wsem_v.at[s] for s in range(NB)]
    wid = lax.axis_index("s") * NC + lax.axis_index("c")
    wbase = wid * BPW
    pltpu.sync_copy(idx_hbm.at[wid], idx_v)

    def gather(c, s):
        pltpu.async_copy(table_hbm.at[idx_v.at[pl.ds(c * CH, CH)]],
                         bufs[s], gsems[s])

    def writeout(c, s):
        pltpu.async_copy(bufs[s], out_hbm.at[pl.ds(wbase + c * CH, CH)],
                         wsems[s])

    def gwait(s):
        pltpu.make_async_copy(table_hbm.at[pl.ds(0, CH)], bufs[s],
                              gsems[s]).wait()

    def wwait(s):
        pltpu.make_async_copy(bufs[s], out_hbm.at[pl.ds(0, CH)],
                              wsems[s]).wait()

    for s in range(NB):
        gather(s, s)

    pltpu.sync_copy(tgt_hbm.at[wid], tgt_v)
    pltpu.sync_copy(lse_hbm, lse_v)

    def fidx_body(g, carry):
        sl = pl.ds(g * L, L)
        fidx_v[sl] = idx_v[sl] * VP + tgt_v[sl]
        return carry

    lax.fori_loop(0, BPW // L, fidx_body, 0)

    pick_cps = [
        pltpu.async_copy(tflat_hbm.at[fidx_v.at[pl.ds(j * PK, PK)]],
                         pick_v.at[pl.ds(j * PK, PK)], psem)
        for j in range(BPW // PK)
    ]
    nrounds = NCH // NB

    def round_body(r, carry):
        for s in range(NB):
            c = r * NB + s
            gwait(s)
            writeout(c, s)

            @pl.when(r < nrounds - 1)
            def _():
                wwait(s)
                gather(c + NB, s)

        return carry

    lax.fori_loop(0, nrounds, round_body, 0)
    for s in range(NB):
        wwait(s)

    for cp in pick_cps:
        cp.wait()
    acc_v[...] = jnp.full((L,), 0.0, jnp.float32)

    def loss_body(g, carry):
        sl = pl.ds(g * L, L)
        lse16 = plsc.load_gather(lse_v, [idx_v[sl]])
        acc_v[...] = acc_v[...] + (lse16 - pick_v[sl])
        return carry

    lax.fori_loop(0, BPW // L, loss_body, 0)
    pltpu.sync_copy(acc_v, part_hbm.at[wid])


def _finish_body(p_ref, out_ref):
    out_ref[...] = (jnp.sum(p_ref[...]) / jnp.float32(NTOK)).reshape(1, 1)


def _finish(partials):
    out = pl.pallas_call(
        _finish_body,
        out_shape=jax.ShapeDtypeStruct((1, 1), jnp.float32),
    )(partials)
    return out[0, 0]


def kernel(idx, targets, table):
    idx_f = idx.astype(jnp.int32)
    tgt_f = targets.astype(jnp.int32)
    table = table.astype(jnp.float32)
    table_p = jnp.pad(table, ((0, 0), (0, VP - V)))
    row_lse = _row_lse(table)
    tflat = jnp.concatenate(
        [table_p.reshape(V * VP), jnp.zeros(8, jnp.float32)])
    out, parts = _sc_gather(idx_f, tgt_f, row_lse, table_p, tflat)
    loss = _finish(parts)
    logits = out.reshape(B, T, VP)[:, :, :V]
    return (logits, loss)

# --- scband reference (transcript-rebuilt; emitter-appended) ---
"""Pipeline reference for scband-bigram-language-model-40750649704523 (READ-ONLY COPY).

The authoritative reference and input builder live on the scoring server;
editing this copy changes nothing except your own understanding.
"""

import jax, jax.numpy as jnp
import numpy as np

V = 1000
B = 32
T = 1024

def setup_inputs(seed: int = 0) -> dict:
    key = jax.random.key(seed)
    k1, k2, k3 = jax.random.split(key, 3)
    idx = jax.random.randint(k1, (B, T), 0, V)
    targets = jax.random.randint(k2, (B, T), 0, V)
    # nn.Embedding(vocab_size, vocab_size) weight, N(0,1) init like torch default
    table = jax.random.normal(k3, (V, V), dtype=jnp.float32)
    return {"idx": idx, "targets": targets, "table": table}

def reference(idx, targets, table):
    # logits = self.table(idx)  -> embedding gather
    logits = jnp.take(table, idx, axis=0)  # [B, T, V]
    b, t, c = logits.shape
    flat = logits.reshape(b * t, c)
    tflat = targets.reshape(b * t)
    # F.cross_entropy with mean reduction
    lse = jax.nn.logsumexp(flat, axis=-1)
    picked = jnp.take_along_axis(flat, tflat[:, None], axis=1)[:, 0]
    loss = jnp.mean(lse - picked)
    return (logits, loss)

if __name__ == "__main__":
    import jax
    _d = setup_inputs()
    print(jax.jit(kernel)(*tuple(_d.values())))

</pallas_src>

<mosaic_0001>
#map = affine_map<(d0, d1) -> (0, 0)>
#map1 = affine_map<(d0, d1) -> (0)>
module attributes {stable_mosaic.version = 14 : i64} {
  func.func @_sc_gather(%arg0: i32, %arg1: i32, %arg2: memref<32x1024xi32, #tpu.memory_space<hbm>>, %arg3: memref<32x1024xi32, #tpu.memory_space<hbm>>, %arg4: memref<1000xf32, #tpu.memory_space<hbm>>, %arg5: memref<1000x1024xf32, #tpu.memory_space<hbm>>, %arg6: memref<1024008xf32, #tpu.memory_space<hbm>>, %arg7: memref<32768x1024xf32, #tpu.memory_space<hbm>>, %arg8: memref<32x16xf32, #tpu.memory_space<hbm>>, %arg9: memref<1024xi32, #tpu.memory_space<vmem>>, %arg10: memref<1024xi32, #tpu.memory_space<vmem>>, %arg11: memref<1024xi32, #tpu.memory_space<vmem>>, %arg12: memref<8x8x1024xf32, #tpu.memory_space<vmem>>, %arg13: memref<1024xf32, #tpu.memory_space<vmem>>, %arg14: memref<1000xf32, #tpu.memory_space<vmem>>, %arg15: memref<16xf32, #tpu.memory_space<vmem>>, %arg16: memref<8x!tpu.dma_semaphore, #tpu.memory_space<semaphore_mem>>, %arg17: memref<8x!tpu.dma_semaphore, #tpu.memory_space<semaphore_mem>>, %arg18: memref<!tpu.dma_semaphore, #tpu.memory_space<semaphore_mem>>) attributes {dimension_semantics = [#tpu.dimension_semantics<core_parallel>, #tpu.dimension_semantics<subcore_parallel>], iteration_bounds = array<i64: 2, 16>, scalar_prefetch = 0 : i64, scratch_operands = 10 : i64, tpu.core_type = #tpu.core_type<sc_vector_subcore>, window_params = [{transform_indices = #map}, {transform_indices = #map}, {transform_indices = #map1}, {transform_indices = #map}, {transform_indices = #map1}, {transform_indices = #map}, {transform_indices = #map}]} {
    %mul3A = arith.constant 2 : i32
    %mul3A_0 = arith.muli %arg1, %mul3A : i32
    %add3A = arith.addi %mul3A_0, %arg0 : i32
    %mul3A_1 = arith.constant 1024 : i32
    %mul3A_2 = arith.muli %add3A, %mul3A_1 : i32
    "tpu.region"() ({
      %run_scoped3A = tpu.sem_alloc : memref<!tpu.dma_semaphore, #tpu.memory_space<semaphore_mem>>
      %dma_start3A_388 = arith.constant 0 : i32
      %dma_start3A_389 = tpu.memref_slice %arg2[%add3A, %dma_start3A_388] : memref<32x1024xi32, #tpu.memory_space<hbm>> -> memref<1x1024xi32, #tpu.memory_space<hbm>>
      %dma_start3A_390 = tpu.memref_squeeze %dma_start3A_389 : memref<1x1024xi32, #tpu.memory_space<hbm>> -> memref<1024xi32, #tpu.memory_space<hbm>>
      %dma_start3A_391 = arith.constant 0 : i32
      %dma_start3A_392 = tpu.memref_slice %arg2[%add3A, %dma_start3A_391] : memref<32x1024xi32, #tpu.memory_space<hbm>> -> memref<1x1024xi32, #tpu.memory_space<hbm>>
      %dma_start3A_393 = tpu.memref_squeeze %dma_start3A_392 : memref<1x1024xi32, #tpu.memory_space<hbm>> -> memref<1024xi32, #tpu.memory_space<hbm>>
      tpu.enqueue_dma source(%dma_start3A_393 : memref<1024xi32, #tpu.memory_space<hbm>>) target(%arg9 : memref<1024xi32, #tpu.memory_space<vmem>>) target_semaphore(%run_scoped3A : memref<!tpu.dma_semaphore, #tpu.memory_space<semaphore_mem>>)
      %dma_wait3A_394 = arith.constant 0 : i32
      %dma_wait3A_395 = tpu.memref_slice %arg2[%add3A, %dma_wait3A_394] : memref<32x1024xi32, #tpu.memory_space<hbm>> -> memref<1x1024xi32, #tpu.memory_space<hbm>>
      %dma_wait3A_396 = tpu.memref_squeeze %dma_wait3A_395 : memref<1x1024xi32, #tpu.memory_space<hbm>> -> memref<1024xi32, #tpu.memory_space<hbm>>
      %dma_wait3A_397 = arith.constant 0 : i32
      %dma_wait3A_398 = tpu.memref_slice %arg2[%add3A, %dma_wait3A_397] : memref<32x1024xi32, #tpu.memory_space<hbm>> -> memref<1x1024xi32, #tpu.memory_space<hbm>>
      %dma_wait3A_399 = tpu.memref_squeeze %dma_wait3A_398 : memref<1x1024xi32, #tpu.memory_space<hbm>> -> memref<1024xi32, #tpu.memory_space<hbm>>
      tpu.wait_dma2 semaphore(%run_scoped3A : memref<!tpu.dma_semaphore, #tpu.memory_space<semaphore_mem>>) src(%dma_wait3A_399 : memref<1024xi32, #tpu.memory_space<hbm>>) dst(%arg9 : memref<1024xi32, #tpu.memory_space<vmem>>)
      tpu.yield
    }) : () -> ()
    %dma_start3A = arith.constant 0 : i32
    %dma_start3A_3 = arith.constant 0 : i32
    %dma_start3A_4 = arith.constant 0 : i32
    %dma_start3A_5 = arith.constant 0 : i32
    %dma_start3A_6 = tpu.memref_slice %arg12[%dma_start3A, %dma_start3A_4, %dma_start3A_5] : memref<8x8x1024xf32, #tpu.memory_space<vmem>> -> memref<1x8x1024xf32, #tpu.memory_space<vmem>>
    %dma_start3A_7 = tpu.memref_squeeze %dma_start3A_6 : memref<1x8x1024xf32, #tpu.memory_space<vmem>> -> memref<8x1024xf32, #tpu.memory_space<vmem>>
    %dma_start3A_8 = arith.constant 0 : i32
    %dma_start3A_9 = tpu.memref_slice %arg9[%dma_start3A_8] : memref<1024xi32, #tpu.memory_space<vmem>> -> memref<8xi32, #tpu.memory_space<vmem>>
    %dma_start3A_10 = arith.constant 0 : i32
    %dma_start3A_11 = arith.constant 0 : i32
    %dma_start3A_12 = tpu.memref_slice %arg5[%dma_start3A_10, %dma_start3A_11] : memref<1000x1024xf32, #tpu.memory_space<hbm>> -> memref<1000x1024xf32, #tpu.memory_space<hbm>>
    %dma_start3A_13 = tpu.memref_slice %arg16[%dma_start3A_3] : memref<8x!tpu.dma_semaphore, #tpu.memory_space<semaphore_mem>> -> memref<1x!tpu.dma_semaphore, #tpu.memory_space<semaphore_mem>>
    %dma_start3A_14 = tpu.memref_squeeze %dma_start3A_13 : memref<1x!tpu.dma_semaphore, #tpu.memory_space<semaphore_mem>> -> memref<!tpu.dma_semaphore, #tpu.memory_space<semaphore_mem>>
    tpu.enqueue_indirect_dma source(%dma_start3A_12 : memref<1000x1024xf32, #tpu.memory_space<hbm>>) target(%dma_start3A_7 : memref<8x1024xf32, #tpu.memory_space<vmem>>) offsets(%dma_start3A_9 : memref<8xi32, #tpu.memory_space<vmem>>) semaphore(%dma_start3A_14 : memref<!tpu.dma_semaphore, #tpu.memory_space<semaphore_mem>>)
    %dma_start3A_15 = arith.constant 1 : i32
    %dma_start3A_16 = arith.constant 1 : i32
    %dma_start3A_17 = arith.constant 0 : i32
    %dma_start3A_18 = arith.constant 0 : i32
    %dma_start3A_19 = tpu.memref_slice %arg12[%dma_start3A_15, %dma_start3A_17, %dma_start3A_18] : memref<8x8x1024xf32, #tpu.memory_space<vmem>> -> memref<1x8x1024xf32, #tpu.memory_space<vmem>>
    %dma_start3A_20 = tpu.memref_squeeze %dma_start3A_19 : memref<1x8x1024xf32, #tpu.memory_space<vmem>> -> memref<8x1024xf32, #tpu.memory_space<vmem>>
    %dma_start3A_21 = arith.constant 8 : i32
    %dma_start3A_22 = tpu.memref_slice %arg9[%dma_start3A_21] : memref<1024xi32, #tpu.memory_space<vmem>> -> memref<8xi32, #tpu.memory_space<vmem>>
    %dma_start3A_23 = arith.constant 0 : i32
    %dma_start3A_24 = arith.constant 0 : i32
    %dma_start3A_25 = tpu.memref_slice %arg5[%dma_start3A_23, %dma_start3A_24] : memref<1000x1024xf32, #tpu.memory_space<hbm>> -> memref<1000x1024xf32, #tpu.memory_space<hbm>>
    %dma_start3A_26 = tpu.memref_slice %arg16[%dma_start3A_16] : memref<8x!tpu.dma_semaphore, #tpu.memory_space<semaphore_mem>> -> memref<1x!tpu.dma_semaphore, #tpu.memory_space<semaphore_mem>>
    %dma_start3A_27 = tpu.memref_squeeze %dma_start3A_26 : memref<1x!tpu.dma_semaphore, #tpu.memory_space<semaphore_mem>> -> memref<!tpu.dma_semaphore, #tpu.memory_space<semaphore_mem>>
    tpu.enqueue_indirect_dma source(%dma_start3A_25 : memref<1000x1024xf32, #tpu.memory_space<hbm>>) target(%dma_start3A_20 : memref<8x1024xf32, #tpu.memory_space<vmem>>) offsets(%dma_start3A_22 : memref<8xi32, #tpu.memory_space<vmem>>) semaphore(%dma_start3A_27 : memref<!tpu.dma_semaphore, #tpu.memory_space<semaphore_mem>>)
    %dma_start3A_28 = arith.constant 2 : i32
    %dma_start3A_29 = arith.constant 2 : i32
    %dma_start3A_30 = arith.constant 0 : i32
    %dma_start3A_31 = arith.constant 0 : i32
    %dma_start3A_32 = tpu.memref_slice %arg12[%dma_start3A_28, %dma_start3A_30, %dma_start3A_31] : memref<8x8x1024xf32, #tpu.memory_space<vmem>> -> memref<1x8x1024xf32, #tpu.memory_space<vmem>>
    %dma_start3A_33 = tpu.memref_squeeze %dma_start3A_32 : memref<1x8x1024xf32, #tpu.memory_space<vmem>> -> memref<8x1024xf32, #tpu.memory_space<vmem>>
    %dma_start3A_34 = arith.constant 16 : i32
    %dma_start3A_35 = tpu.memref_slice %arg9[%dma_start3A_34] : memref<1024xi32, #tpu.memory_space<vmem>> -> memref<8xi32, #tpu.memory_space<vmem>>
    %dma_start3A_36 = arith.constant 0 : i32
    %dma_start3A_37 = arith.constant 0 : i32
    %dma_start3A_38 = tpu.memref_slice %arg5[%dma_start3A_36, %dma_start3A_37] : memref<1000x1024xf32, #tpu.memory_space<hbm>> -> memref<1000x1024xf32, #tpu.memory_space<hbm>>
    %dma_start3A_39 = tpu.memref_slice %arg16[%dma_start3A_29] : memref<8x!tpu.dma_semaphore, #tpu.memory_space<semaphore_mem>> -> memref<1x!tpu.dma_semaphore, #tpu.memory_space<semaphore_mem>>
    %dma_start3A_40 = tpu.memref_squeeze %dma_start3A_39 : memref<1x!tpu.dma_semaphore, #tpu.memory_space<semaphore_mem>> -> memref<!tpu.dma_semaphore, #tpu.memory_space<semaphore_mem>>
    tpu.enqueue_indirect_dma source(%dma_start3A_38 : memref<1000x1024xf32, #tpu.memory_space<hbm>>) target(%dma_start3A_33 : memref<8x1024xf32, #tpu.memory_space<vmem>>) offsets(%dma_start3A_35 : memref<8xi32, #tpu.memory_space<vmem>>) semaphore(%dma_start3A_40 : memref<!tpu.dma_semaphore, #tpu.memory_space<semaphore_mem>>)
    %dma_start3A_41 = arith.constant 3 : i32
    %dma_start3A_42 = arith.constant 3 : i32
    %dma_start3A_43 = arith.constant 0 : i32
    %dma_start3A_44 = arith.constant 0 : i32
    %dma_start3A_45 = tpu.memref_slice %arg12[%dma_start3A_41, %dma_start3A_43, %dma_start3A_44] : memref<8x8x1024xf32, #tpu.memory_space<vmem>> -> memref<1x8x1024xf32, #tpu.memory_space<vmem>>
    %dma_start3A_46 = tpu.memref_squeeze %dma_start3A_45 : memref<1x8x1024xf32, #tpu.memory_space<vmem>> -> memref<8x1024xf32, #tpu.memory_space<vmem>>
    %dma_start3A_47 = arith.constant 24 : i32
    %dma_start3A_48 = tpu.memref_slice %arg9[%dma_start3A_47] : memref<1024xi32, #tpu.memory_space<vmem>> -> memref<8xi32, #tpu.memory_space<vmem>>
    %dma_start3A_49 = arith.constant 0 : i32
    %dma_start3A_50 = arith.constant 0 : i32
    %dma_start3A_51 = tpu.memref_slice %arg5[%dma_start3A_49, %dma_start3A_50] : memref<1000x1024xf32, #tpu.memory_space<hbm>> -> memref<1000x1024xf32, #tpu.memory_space<hbm>>
    %dma_start3A_52 = tpu.memref_slice %arg16[%dma_start3A_42] : memref<8x!tpu.dma_semaphore, #tpu.memory_space<semaphore_mem>> -> memref<1x!tpu.dma_semaphore, #tpu.memory_space<semaphore_mem>>
    %dma_start3A_53 = tpu.memref_squeeze %dma_start3A_52 : memref<1x!tpu.dma_semaphore, #tpu.memory_space<semaphore_mem>> -> memref<!tpu.dma_semaphore, #tpu.memory_space<semaphore_mem>>
    tpu.enqueue_indirect_dma source(%dma_start3A_51 : memref<1000x1024xf32, #tpu.memory_space<hbm>>) target(%dma_start3A_46 : memref<8x1024xf32, #tpu.memory_space<vmem>>) offsets(%dma_start3A_48 : memref<8xi32, #tpu.memory_space<vmem>>) semaphore(%dma_start3A_53 : memref<!tpu.dma_semaphore, #tpu.memory_space<semaphore_mem>>)
    %dma_start3A_54 = arith.constant 4 : i32
    %dma_start3A_55 = arith.constant 4 : i32
    %dma_start3A_56 = arith.constant 0 : i32
    %dma_start3A_57 = arith.constant 0 : i32
    %dma_start3A_58 = tpu.memref_slice %arg12[%dma_start3A_54, %dma_start3A_56, %dma_start3A_57] : memref<8x8x1024xf32, #tpu.memory_space<vmem>> -> memref<1x8x1024xf32, #tpu.memory_space<vmem>>
    %dma_start3A_59 = tpu.memref_squeeze %dma_start3A_58 : memref<1x8x1024xf32, #tpu.memory_space<vmem>> -> memref<8x1024xf32, #tpu.memory_space<vmem>>
    %dma_start3A_60 = arith.constant 32 : i32
    %dma_start3A_61 = tpu.memref_slice %arg9[%dma_start3A_60] : memref<1024xi32, #tpu.memory_space<vmem>> -> memref<8xi32, #tpu.memory_space<vmem>>
    %dma_start3A_62 = arith.constant 0 : i32
    %dma_start3A_63 = arith.constant 0 : i32
    %dma_start3A_64 = tpu.memref_slice %arg5[%dma_start3A_62, %dma_start3A_63] : memref<1000x1024xf32, #tpu.memory_space<hbm>> -> memref<1000x1024xf32, #tpu.memory_space<hbm>>
    %dma_start3A_65 = tpu.memref_slice %arg16[%dma_start3A_55] : memref<8x!tpu.dma_semaphore, #tpu.memory_space<semaphore_mem>> -> memref<1x!tpu.dma_semaphore, #tpu.memory_space<semaphore_mem>>
    %dma_start3A_66 = tpu.memref_squeeze %dma_start3A_65 : memref<1x!tpu.dma_semaphore, #tpu.memory_space<semaphore_mem>> -> memref<!tpu.dma_semaphore, #tpu.memory_space<semaphore_mem>>
    tpu.enqueue_indirect_dma source(%dma_start3A_64 : memref<1000x1024xf32, #tpu.memory_space<hbm>>) target(%dma_start3A_59 : memref<8x1024xf32, #tpu.memory_space<vmem>>) offsets(%dma_start3A_61 : memref<8xi32, #tpu.memory_space<vmem>>) semaphore(%dma_start3A_66 : memref<!tpu.dma_semaphore, #tpu.memory_space<semaphore_mem>>)
    %dma_start3A_67 = arith.constant 5 : i32
    %dma_start3A_68 = arith.constant 5 : i32
    %dma_start3A_69 = arith.constant 0 : i32
    %dma_start3A_70 = arith.constant 0 : i32
    %dma_start3A_71 = tpu.memref_slice %arg12[%dma_start3A_67, %dma_start3A_69, %dma_start3A_70] : memref<8x8x1024xf32, #tpu.memory_space<vmem>> -> memref<1x8x1024xf32, #tpu.memory_space<vmem>>
    %dma_start3A_72 = tpu.memref_squeeze %dma_start3A_71 : memref<1x8x1024xf32, #tpu.memory_space<vmem>> -> memref<8x1024xf32, #tpu.memory_space<vmem>>
    %dma_start3A_73 = arith.constant 40 : i32
    %dma_start3A_74 = tpu.memref_slice %arg9[%dma_start3A_73] : memref<1024xi32, #tpu.memory_space<vmem>> -> memref<8xi32, #tpu.memory_space<vmem>>
    %dma_start3A_75 = arith.constant 0 : i32
    %dma_start3A_76 = arith.constant 0 : i32
    %dma_start3A_77 = tpu.memref_slice %arg5[%dma_start3A_75, %dma_start3A_76] : memref<1000x1024xf32, #tpu.memory_space<hbm>> -> memref<1000x1024xf32, #tpu.memory_space<hbm>>
    %dma_start3A_78 = tpu.memref_slice %arg16[%dma_start3A_68] : memref<8x!tpu.dma_semaphore, #tpu.memory_space<semaphore_mem>> -> memref<1x!tpu.dma_semaphore, #tpu.memory_space<semaphore_mem>>
    %dma_start3A_79 = tpu.memref_squeeze %dma_start3A_78 : memref<1x!tpu.dma_semaphore, #tpu.memory_space<semaphore_mem>> -> memref<!tpu.dma_semaphore, #tpu.memory_space<semaphore_mem>>
    tpu.enqueue_indirect_dma source(%dma_start3A_77 : memref<1000x1024xf32, #tpu.memory_space<hbm>>) target(%dma_start3A_72 : memref<8x1024xf32, #tpu.memory_space<vmem>>) offsets(%dma_start3A_74 : memref<8xi32, #tpu.memory_space<vmem>>) semaphore(%dma_start3A_79 : memref<!tpu.dma_semaphore, #tpu.memory_space<semaphore_mem>>)
    %dma_start3A_80 = arith.constant 6 : i32
    %dma_start3A_81 = arith.constant 6 : i32
    %dma_start3A_82 = arith.constant 0 : i32
    %dma_start3A_83 = arith.constant 0 : i32
    %dma_start3A_84 = tpu.memref_slice %arg12[%dma_start3A_80, %dma_start3A_82, %dma_start3A_83] : memref<8x8x1024xf32, #tpu.memory_space<vmem>> -> memref<1x8x1024xf32, #tpu.memory_space<vmem>>
    %dma_start3A_85 = tpu.memref_squeeze %dma_start3A_84 : memref<1x8x1024xf32, #tpu.memory_space<vmem>> -> memref<8x1024xf32, #tpu.memory_space<vmem>>
    %dma_start3A_86 = arith.constant 48 : i32
    %dma_start3A_87 = tpu.memref_slice %arg9[%dma_start3A_86] : memref<1024xi32, #tpu.memory_space<vmem>> -> memref<8xi32, #tpu.memory_space<vmem>>
    %dma_start3A_88 = arith.constant 0 : i32
    %dma_start3A_89 = arith.constant 0 : i32
    %dma_start3A_90 = tpu.memref_slice %arg5[%dma_start3A_88, %dma_start3A_89] : memref<1000x1024xf32, #tpu.memory_space<hbm>> -> memref<1000x1024xf32, #tpu.memory_space<hbm>>
    %dma_start3A_91 = tpu.memref_slice %arg16[%dma_start3A_81] : memref<8x!tpu.dma_semaphore, #tpu.memory_space<semaphore_mem>> -> memref<1x!tpu.dma_semaphore, #tpu.memory_space<semaphore_mem>>
    %dma_start3A_92 = tpu.memref_squeeze %dma_start3A_91 : memref<1x!tpu.dma_semaphore, #tpu.memory_space<semaphore_mem>> -> memref<!tpu.dma_semaphore, #tpu.memory_space<semaphore_mem>>
    tpu.enqueue_indirect_dma source(%dma_start3A_90 : memref<1000x1024xf32, #tpu.memory_space<hbm>>) target(%dma_start3A_85 : memref<8x1024xf32, #tpu.memory_space<vmem>>) offsets(%dma_start3A_87 : memref<8xi32, #tpu.memory_space<vmem>>) semaphore(%dma_start3A_92 : memref<!tpu.dma_semaphore, #tpu.memory_space<semaphore_mem>>)
    %dma_start3A_93 = arith.constant 7 : i32
    %dma_start3A_94 = arith.constant 7 : i32
    %dma_start3A_95 = arith.constant 0 : i32
    %dma_start3A_96 = arith.constant 0 : i32
    %dma_start3A_97 = tpu.memref_slice %arg12[%dma_start3A_93, %dma_start3A_95, %dma_start3A_96] : memref<8x8x1024xf32, #tpu.memory_space<vmem>> -> memref<1x8x1024xf32, #tpu.memory_space<vmem>>
    %dma_start3A_98 = tpu.memref_squeeze %dma_start3A_97 : memref<1x8x1024xf32, #tpu.memory_space<vmem>> -> memref<8x1024xf32, #tpu.memory_space<vmem>>
    %dma_start3A_99 = arith.constant 56 : i32
    %dma_start3A_100 = tpu.memref_slice %arg9[%dma_start3A_99] : memref<1024xi32, #tpu.memory_space<vmem>> -> memref<8xi32, #tpu.memory_space<vmem>>
    %dma_start3A_101 = arith.constant 0 : i32
    %dma_start3A_102 = arith.constant 0 : i32
    %dma_start3A_103 = tpu.memref_slice %arg5[%dma_start3A_101, %dma_start3A_102] : memref<1000x1024xf32, #tpu.memory_space<hbm>> -> memref<1000x1024xf32, #tpu.memory_space<hbm>>
    %dma_start3A_104 = tpu.memref_slice %arg16[%dma_start3A_94] : memref<8x!tpu.dma_semaphore, #tpu.memory_space<semaphore_mem>> -> memref<1x!tpu.dma_semaphore, #tpu.memory_space<semaphore_mem>>
    %dma_start3A_105 = tpu.memref_squeeze %dma_start3A_104 : memref<1x!tpu.dma_semaphore, #tpu.memory_space<semaphore_mem>> -> memref<!tpu.dma_semaphore, #tpu.memory_space<semaphore_mem>>
    tpu.enqueue_indirect_dma source(%dma_start3A_103 : memref<1000x1024xf32, #tpu.memory_space<hbm>>) target(%dma_start3A_98 : memref<8x1024xf32, #tpu.memory_space<vmem>>) offsets(%dma_start3A_100 : memref<8xi32, #tpu.memory_space<vmem>>) semaphore(%dma_start3A_105 : memref<!tpu.dma_semaphore, #tpu.memory_space<semaphore_mem>>)
    "tpu.region"() ({
      %run_scoped3A = tpu.sem_alloc : memref<!tpu.dma_semaphore, #tpu.memory_space<semaphore_mem>>
      %dma_start3A_388 = arith.constant 0 : i32
      %dma_start3A_389 = tpu.memref_slice %arg3[%add3A, %dma_start3A_388] : memref<32x1024xi32, #tpu.memory_space<hbm>> -> memref<1x1024xi32, #tpu.memory_space<hbm>>
      %dma_start3A_390 = tpu.memref_squeeze %dma_start3A_389 : memref<1x1024xi32, #tpu.memory_space<hbm>> -> memref<1024xi32, #tpu.memory_space<hbm>>
      %dma_start3A_391 = arith.constant 0 : i32
      %dma_start3A_392 = tpu.memref_slice %arg3[%add3A, %dma_start3A_391] : memref<32x1024xi32, #tpu.memory_space<hbm>> -> memref<1x1024xi32, #tpu.memory_space<hbm>>
      %dma_start3A_393 = tpu.memref_squeeze %dma_start3A_392 : memref<1x1024xi32, #tpu.memory_space<hbm>> -> memref<1024xi32, #tpu.memory_space<hbm>>
      tpu.enqueue_dma source(%dma_start3A_393 : memref<1024xi32, #tpu.memory_space<hbm>>) target(%arg10 : memref<1024xi32, #tpu.memory_space<vmem>>) target_semaphore(%run_scoped3A : memref<!tpu.dma_semaphore, #tpu.memory_space<semaphore_mem>>)
      %dma_wait3A_394 = arith.constant 0 : i32
      %dma_wait3A_395 = tpu.memref_slice %arg3[%add3A, %dma_wait3A_394] : memref<32x1024xi32, #tpu.memory_space<hbm>> -> memref<1x1024xi32, #tpu.memory_space<hbm>>
      %dma_wait3A_396 = tpu.memref_squeeze %dma_wait3A_395 : memref<1x1024xi32, #tpu.memory_space<hbm>> -> memref<1024xi32, #tpu.memory_space<hbm>>
      %dma_wait3A_397 = arith.constant 0 : i32
      %dma_wait3A_398 = tpu.memref_slice %arg3[%add3A, %dma_wait3A_397] : memref<32x1024xi32, #tpu.memory_space<hbm>> -> memref<1x1024xi32, #tpu.memory_space<hbm>>
      %dma_wait3A_399 = tpu.memref_squeeze %dma_wait3A_398 : memref<1x1024xi32, #tpu.memory_space<hbm>> -> memref<1024xi32, #tpu.memory_space<hbm>>
      tpu.wait_dma2 semaphore(%run_scoped3A : memref<!tpu.dma_semaphore, #tpu.memory_space<semaphore_mem>>) src(%dma_wait3A_399 : memref<1024xi32, #tpu.memory_space<hbm>>) dst(%arg10 : memref<1024xi32, #tpu.memory_space<vmem>>)
      tpu.yield
    }) : () -> ()
    "tpu.region"() ({
      %run_scoped3A = tpu.sem_alloc : memref<!tpu.dma_semaphore, #tpu.memory_space<semaphore_mem>>
      tpu.enqueue_dma source(%arg4 : memref<1000xf32, #tpu.memory_space<hbm>>) target(%arg14 : memref<1000xf32, #tpu.memory_space<vmem>>) target_semaphore(%run_scoped3A : memref<!tpu.dma_semaphore, #tpu.memory_space<semaphore_mem>>)
      tpu.wait_dma2 semaphore(%run_scoped3A : memref<!tpu.dma_semaphore, #tpu.memory_space<semaphore_mem>>) src(%arg4 : memref<1000xf32, #tpu.memory_space<hbm>>) dst(%arg14 : memref<1000xf32, #tpu.memory_space<vmem>>)
      tpu.yield
    }) : () -> ()
    %scan3A = arith.constant 0 : i32
    %scan3A_106 = arith.constant 0 : i32
    %scan3A_107 = arith.constant 64 : i32
    %scan3A_108 = arith.addi %scan3A_106, %scan3A_107 : i32
    %scan3A_109 = arith.constant 1 : i32
    scf.for %scan3A_388 = %scan3A_106 to %scan3A_108 step %scan3A_109  : i32 {
      %mul3A_389 = arith.constant 16 : i32
      %mul3A_390 = arith.muli %scan3A_388, %mul3A_389 : i32
      %get3A = arith.index_cast %mul3A_390 : i32 to index
      %get3A_391 = tpu.vector_load %arg9[%get3A] {strides = array<i32>} : memref<1024xi32, #tpu.memory_space<vmem>>, vector<16xi32>,
      %mul3A_392 = arith.constant 1024 : i32
      %mul3A_393 = vector.broadcast %mul3A_392 : i32 to vector<16xi32>
      %mul3A_394 = arith.muli %get3A_391, %mul3A_393 : vector<16xi32>
      %get3A_395 = arith.index_cast %mul3A_390 : i32 to index
      %get3A_396 = tpu.vector_load %arg10[%get3A_395] {strides = array<i32>} : memref<1024xi32, #tpu.memory_space<vmem>>, vector<16xi32>,
      %add3A_397 = arith.addi %mul3A_394, %get3A_396 : vector<16xi32>
      %swap3A_398 = arith.index_cast %mul3A_390 : i32 to index
      %swap3A_399 = tpu.vector_load %arg11[%swap3A_398] {strides = array<i32>} : memref<1024xi32, #tpu.memory_space<vmem>>, vector<16xi32>,
      tpu.vector_store %arg11[%swap3A_398], %add3A_397 {strides = array<i32>} : memref<1024xi32, #tpu.memory_space<vmem>>, vector<16xi32>,
    }
    %scan3A_110 = arith.constant 64 : i32
    %dma_start3A_111 = arith.constant 0 : i32
    %dma_start3A_112 = tpu.memref_slice %arg13[%dma_start3A_111] : memref<1024xf32, #tpu.memory_space<vmem>> -> memref<128xf32, #tpu.memory_space<vmem>>
    %dma_start3A_113 = arith.constant 0 : i32
    %dma_start3A_114 = tpu.memref_slice %arg11[%dma_start3A_113] : memref<1024xi32, #tpu.memory_space<vmem>> -> memref<128xi32, #tpu.memory_space<vmem>>
    %dma_start3A_115 = arith.constant 0 : i32
    %dma_start3A_116 = tpu.memref_slice %arg6[%dma_start3A_115] : memref<1024008xf32, #tpu.memory_space<hbm>> -> memref<1024008xf32, #tpu.memory_space<hbm>>
    tpu.enqueue_indirect_dma source(%dma_start3A_116 : memref<1024008xf32, #tpu.memory_space<hbm>>) target(%dma_start3A_112 : memref<128xf32, #tpu.memory_space<vmem>>) offsets(%dma_start3A_114 : memref<128xi32, #tpu.memory_space<vmem>>) semaphore(%arg18 : memref<!tpu.dma_semaphore, #tpu.memory_space<semaphore_mem>>)
    %dma_start3A_117 = arith.constant 128 : i32
    %dma_start3A_118 = tpu.memref_slice %arg13[%dma_start3A_117] : memref<1024xf32, #tpu.memory_space<vmem>> -> memref<128xf32, #tpu.memory_space<vmem>>
    %dma_start3A_119 = arith.constant 128 : i32
    %dma_start3A_120 = tpu.memref_slice %arg11[%dma_start3A_119] : memref<1024xi32, #tpu.memory_space<vmem>> -> memref<128xi32, #tpu.memory_space<vmem>>
    %dma_start3A_121 = arith.constant 0 : i32
    %dma_start3A_122 = tpu.memref_slice %arg6[%dma_start3A_121] : memref<1024008xf32, #tpu.memory_space<hbm>> -> memref<1024008xf32, #tpu.memory_space<hbm>>
    tpu.enqueue_indirect_dma source(%dma_start3A_122 : memref<1024008xf32, #tpu.memory_space<hbm>>) target(%dma_start3A_118 : memref<128xf32, #tpu.memory_space<vmem>>) offsets(%dma_start3A_120 : memref<128xi32, #tpu.memory_space<vmem>>) semaphore(%arg18 : memref<!tpu.dma_semaphore, #tpu.memory_space<semaphore_mem>>)
    %dma_start3A_123 = arith.constant 256 : i32
    %dma_start3A_124 = tpu.memref_slice %arg13[%dma_start3A_123] : memref<1024xf32, #tpu.memory_space<vmem>> -> memref<128xf32, #tpu.memory_space<vmem>>
    %dma_start3A_125 = arith.constant 256 : i32
    %dma_start3A_126 = tpu.memref_slice %arg11[%dma_start3A_125] : memref<1024xi32, #tpu.memory_space<vmem>> -> memref<128xi32, #tpu.memory_space<vmem>>
    %dma_start3A_127 = arith.constant 0 : i32
    %dma_start3A_128 = tpu.memref_slice %arg6[%dma_start3A_127] : memref<1024008xf32, #tpu.memory_space<hbm>> -> memref<1024008xf32, #tpu.memory_space<hbm>>
    tpu.enqueue_indirect_dma source(%dma_start3A_128 : memref<1024008xf32, #tpu.memory_space<hbm>>) target(%dma_start3A_124 : memref<128xf32, #tpu.memory_space<vmem>>) offsets(%dma_start3A_126 : memref<128xi32, #tpu.memory_space<vmem>>) semaphore(%arg18 : memref<!tpu.dma_semaphore, #tpu.memory_space<semaphore_mem>>)
    %dma_start3A_129 = arith.constant 384 : i32
    %dma_start3A_130 = tpu.memref_slice %arg13[%dma_start3A_129] : memref<1024xf32, #tpu.memory_space<vmem>> -> memref<128xf32, #tpu.memory_space<vmem>>
    %dma_start3A_131 = arith.constant 384 : i32
    %dma_start3A_132 = tpu.memref_slice %arg11[%dma_start3A_131] : memref<1024xi32, #tpu.memory_space<vmem>> -> memref<128xi32, #tpu.memory_space<vmem>>
    %dma_start3A_133 = arith.constant 0 : i32
    %dma_start3A_134 = tpu.memref_slice %arg6[%dma_start3A_133] : memref<1024008xf32, #tpu.memory_space<hbm>> -> memref<1024008xf32, #tpu.memory_space<hbm>>
    tpu.enqueue_indirect_dma source(%dma_start3A_134 : memref<1024008xf32, #tpu.memory_space<hbm>>) target(%dma_start3A_130 : memref<128xf32, #tpu.memory_space<vmem>>) offsets(%dma_start3A_132 : memref<128xi32, #tpu.memory_space<vmem>>) semaphore(%arg18 : memref<!tpu.dma_semaphore, #tpu.memory_space<semaphore_mem>>)
    %dma_start3A_135 = arith.constant 512 : i32
    %dma_start3A_136 = tpu.memref_slice %arg13[%dma_start3A_135] : memref<1024xf32, #tpu.memory_space<vmem>> -> memref<128xf32, #tpu.memory_space<vmem>>
    %dma_start3A_137 = arith.constant 512 : i32
    %dma_start3A_138 = tpu.memref_slice %arg11[%dma_start3A_137] : memref<1024xi32, #tpu.memory_space<vmem>> -> memref<128xi32, #tpu.memory_space<vmem>>
    %dma_start3A_139 = arith.constant 0 : i32
    %dma_start3A_140 = tpu.memref_slice %arg6[%dma_start3A_139] : memref<1024008xf32, #tpu.memory_space<hbm>> -> memref<1024008xf32, #tpu.memory_space<hbm>>
    tpu.enqueue_indirect_dma source(%dma_start3A_140 : memref<1024008xf32, #tpu.memory_space<hbm>>) target(%dma_start3A_136 : memref<128xf32, #tpu.memory_space<vmem>>) offsets(%dma_start3A_138 : memref<128xi32, #tpu.memory_space<vmem>>) semaphore(%arg18 : memref<!tpu.dma_semaphore, #tpu.memory_space<semaphore_mem>>)
    %dma_start3A_141 = arith.constant 640 : i32
    %dma_start3A_142 = tpu.memref_slice %arg13[%dma_start3A_141] : memref<1024xf32, #tpu.memory_space<vmem>> -> memref<128xf32, #tpu.memory_space<vmem>>
    %dma_start3A_143 = arith.constant 640 : i32
    %dma_start3A_144 = tpu.memref_slice %arg11[%dma_start3A_143] : memref<1024xi32, #tpu.memory_space<vmem>> -> memref<128xi32, #tpu.memory_space<vmem>>
    %dma_start3A_145 = arith.constant 0 : i32
    %dma_start3A_146 = tpu.memref_slice %arg6[%dma_start3A_145] : memref<1024008xf32, #tpu.memory_space<hbm>> -> memref<1024008xf32, #tpu.memory_space<hbm>>
    tpu.enqueue_indirect_dma source(%dma_start3A_146 : memref<1024008xf32, #tpu.memory_space<hbm>>) target(%dma_start3A_142 : memref<128xf32, #tpu.memory_space<vmem>>) offsets(%dma_start3A_144 : memref<128xi32, #tpu.memory_space<vmem>>) semaphore(%arg18 : memref<!tpu.dma_semaphore, #tpu.memory_space<semaphore_mem>>)
    %dma_start3A_147 = arith.constant 768 : i32
    %dma_start3A_148 = tpu.memref_slice %arg13[%dma_start3A_147] : memref<1024xf32, #tpu.memory_space<vmem>> -> memref<128xf32, #tpu.memory_space<vmem>>
    %dma_start3A_149 = arith.constant 768 : i32
    %dma_start3A_150 = tpu.memref_slice %arg11[%dma_start3A_149] : memref<1024xi32, #tpu.memory_space<vmem>> -> memref<128xi32, #tpu.memory_space<vmem>>
    %dma_start3A_151 = arith.constant 0 : i32
    %dma_start3A_152 = tpu.memref_slice %arg6[%dma_start3A_151] : memref<1024008xf32, #tpu.memory_space<hbm>> -> memref<1024008xf32, #tpu.memory_space<hbm>>
    tpu.enqueue_indirect_dma source(%dma_start3A_152 : memref<1024008xf32, #tpu.memory_space<hbm>>) target(%dma_start3A_148 : memref<128xf32, #tpu.memory_space<vmem>>) offsets(%dma_start3A_150 : memref<128xi32, #tpu.memory_space<vmem>>) semaphore(%arg18 : memref<!tpu.dma_semaphore, #tpu.memory_space<semaphore_mem>>)
    %dma_start3A_153 = arith.constant 896 : i32
    %dma_start3A_154 = tpu.memref_slice %arg13[%dma_start3A_153] : memref<1024xf32, #tpu.memory_space<vmem>> -> memref<128xf32, #tpu.memory_space<vmem>>
    %dma_start3A_155 = arith.constant 896 : i32
    %dma_start3A_156 = tpu.memref_slice %arg11[%dma_start3A_155] : memref<1024xi32, #tpu.memory_space<vmem>> -> memref<128xi32, #tpu.memory_space<vmem>>
    %dma_start3A_157 = arith.constant 0 : i32
    %dma_start3A_158 = tpu.memref_slice %arg6[%dma_start3A_157] : memref<1024008xf32, #tpu.memory_space<hbm>> -> memref<1024008xf32, #tpu.memory_space<hbm>>
    tpu.enqueue_indirect_dma source(%dma_start3A_158 : memref<1024008xf32, #tpu.memory_space<hbm>>) target(%dma_start3A_154 : memref<128xf32, #tpu.memory_space<vmem>>) offsets(%dma_start3A_156 : memref<128xi32, #tpu.memory_space<vmem>>) semaphore(%arg18 : memref<!tpu.dma_semaphore, #tpu.memory_space<semaphore_mem>>)
    %scan3A_159 = arith.constant 0 : i32
    %scan3A_160 = arith.constant 0 : i32
    %scan3A_161 = arith.constant 0 : i32
    %scan3A_162 = arith.constant 0 : i32
    %scan3A_163 = arith.constant 1 : i32
    %scan3A_164 = arith.constant 1 : i32
    %scan3A_165 = arith.constant 1 : i32
    %scan3A_166 = arith.constant 2 : i32
    %scan3A_167 = arith.constant 2 : i32
    %scan3A_168 = arith.constant 2 : i32
    %scan3A_169 = arith.constant 3 : i32
    %scan3A_170 = arith.constant 3 : i32
    %scan3A_171 = arith.constant 3 : i32
    %scan3A_172 = arith.constant 4 : i32
    %scan3A_173 = arith.constant 4 : i32
    %scan3A_174 = arith.constant 4 : i32
    %scan3A_175 = arith.constant 5 : i32
    %scan3A_176 = arith.constant 5 : i32
    %scan3A_177 = arith.constant 5 : i32
    %scan3A_178 = arith.constant 6 : i32
    %scan3A_179 = arith.constant 6 : i32
    %scan3A_180 = arith.constant 6 : i32
    %scan3A_181 = arith.constant 7 : i32
    %scan3A_182 = arith.constant 7 : i32
    %scan3A_183 = arith.constant 7 : i32
    %scan3A_184 = arith.constant 0 : i32
    %scan3A_185 = arith.constant 16 : i32
    %scan3A_186 = arith.addi %scan3A_184, %scan3A_185 : i32
    %scan3A_187 = arith.constant 1 : i32
    scf.for %scan3A_388 = %scan3A_184 to %scan3A_186 step %scan3A_187  : i32 {
      %mul3A_389 = arith.constant 8 : i32
      %mul3A_390 = arith.muli %scan3A_388, %mul3A_389 : i32
      %add3A_391 = arith.constant 0 : i32
      %add3A_392 = arith.addi %mul3A_390, %add3A_391 : i32
      %dma_wait3A_393 = arith.constant 0 : i32
      %dma_wait3A_394 = arith.constant 0 : i32
      %dma_wait3A_395 = tpu.memref_slice %arg12[%scan3A_160, %dma_wait3A_393, %dma_wait3A_394] : memref<8x8x1024xf32, #tpu.memory_space<vmem>> -> memref<1x8x1024xf32, #tpu.memory_space<vmem>>
      %dma_wait3A_396 = tpu.memref_squeeze %dma_wait3A_395 : memref<1x8x1024xf32, #tpu.memory_space<vmem>> -> memref<8x1024xf32, #tpu.memory_space<vmem>>
      %dma_wait3A_397 = arith.constant 0 : i32
      %dma_wait3A_398 = arith.constant 0 : i32
      %dma_wait3A_399 = tpu.memref_slice %arg5[%dma_wait3A_397, %dma_wait3A_398] : memref<1000x1024xf32, #tpu.memory_space<hbm>> -> memref<8x1024xf32, #tpu.memory_space<hbm>>
      %dma_wait3A_400 = tpu.memref_slice %arg16[%scan3A_161] : memref<8x!tpu.dma_semaphore, #tpu.memory_space<semaphore_mem>> -> memref<1x!tpu.dma_semaphore, #tpu.memory_space<semaphore_mem>>
      %dma_wait3A_401 = tpu.memref_squeeze %dma_wait3A_400 : memref<1x!tpu.dma_semaphore, #tpu.memory_space<semaphore_mem>> -> memref<!tpu.dma_semaphore, #tpu.memory_space<semaphore_mem>>
      %dma_wait3A_402 = arith.constant 0 : i32
      %dma_wait3A_403 = arith.constant 0 : i32
      %dma_wait3A_404 = tpu.memref_slice %arg12[%scan3A_160, %dma_wait3A_402, %dma_wait3A_403] : memref<8x8x1024xf32, #tpu.memory_space<vmem>> -> memref<1x8x1024xf32, #tpu.memory_space<vmem>>
      %dma_wait3A_405 = tpu.memref_squeeze %dma_wait3A_404 : memref<1x8x1024xf32, #tpu.memory_space<vmem>> -> memref<8x1024xf32, #tpu.memory_space<vmem>>
      %dma_wait3A_406 = arith.constant 0 : i32
      %dma_wait3A_407 = arith.constant 0 : i32
      %dma_wait3A_408 = tpu.memref_slice %arg5[%dma_wait3A_406, %dma_wait3A_407] : memref<1000x1024xf32, #tpu.memory_space<hbm>> -> memref<8x1024xf32, #tpu.memory_space<hbm>>
      tpu.wait_dma2 semaphore(%dma_wait3A_401 : memref<!tpu.dma_semaphore, #tpu.memory_space<semaphore_mem>>) src(%dma_wait3A_408 : memref<8x1024xf32, #tpu.memory_space<hbm>>) dst(%dma_wait3A_405 : memref<8x1024xf32, #tpu.memory_space<vmem>>)
      %mul3A_409 = arith.constant 8 : i32
      %mul3A_410 = arith.muli %add3A_392, %mul3A_409 : i32
      %add3A_411 = arith.addi %mul3A_2, %mul3A_410 : i32
      %dma_start3A_412 = arith.constant 0 : i32
      %dma_start3A_413 = arith.constant 0 : i32
      %dma_start3A_414 = tpu.memref_slice %arg12[%scan3A_160, %dma_start3A_412, %dma_start3A_413] : memref<8x8x1024xf32, #tpu.memory_space<vmem>> -> memref<1x8x1024xf32, #tpu.memory_space<vmem>>
      %dma_start3A_415 = tpu.memref_squeeze %dma_start3A_414 : memref<1x8x1024xf32, #tpu.memory_space<vmem>> -> memref<8x1024xf32, #tpu.memory_space<vmem>>
      %dma_start3A_416 = arith.constant 0 : i32
      %dma_start3A_417 = tpu.memref_slice %arg7[%add3A_411, %dma_start3A_416] : memref<32768x1024xf32, #tpu.memory_space<hbm>> -> memref<8x1024xf32, #tpu.memory_space<hbm>>
      %dma_start3A_418 = tpu.memref_slice %arg17[%scan3A_162] : memref<8x!tpu.dma_semaphore, #tpu.memory_space<semaphore_mem>> -> memref<1x!tpu.dma_semaphore, #tpu.memory_space<semaphore_mem>>
      %dma_start3A_419 = tpu.memref_squeeze %dma_start3A_418 : memref<1x!tpu.dma_semaphore, #tpu.memory_space<semaphore_mem>> -> memref<!tpu.dma_semaphore, #tpu.memory_space<semaphore_mem>>
      %dma_start3A_420 = arith.constant 0 : i32
      %dma_start3A_421 = tpu.memref_slice %arg7[%add3A_411, %dma_start3A_420] : memref<32768x1024xf32, #tpu.memory_space<hbm>> -> memref<8x1024xf32, #tpu.memory_space<hbm>>
      %dma_start3A_422 = arith.constant 0 : i32
      %dma_start3A_423 = arith.constant 0 : i32
      %dma_start3A_424 = tpu.memref_slice %arg12[%scan3A_160, %dma_start3A_422, %dma_start3A_423] : memref<8x8x1024xf32, #tpu.memory_space<vmem>> -> memref<1x8x1024xf32, #tpu.memory_space<vmem>>
      %dma_start3A_425 = tpu.memref_squeeze %dma_start3A_424 : memref<1x8x1024xf32, #tpu.memory_space<vmem>> -> memref<8x1024xf32, #tpu.memory_space<vmem>>
      tpu.enqueue_dma source(%dma_start3A_425 : memref<8x1024xf32, #tpu.memory_space<vmem>>) target(%dma_start3A_421 : memref<8x1024xf32, #tpu.memory_space<hbm>>) target_semaphore(%dma_start3A_419 : memref<!tpu.dma_semaphore, #tpu.memory_space<semaphore_mem>>)
      %lt3A = arith.constant 15 : i32
      %lt3A_426 = arith.cmpi slt, %scan3A_388, %lt3A : i32
      %convert_element_type3A = arith.extui %lt3A_426 : i1 to i32
      %cond3A = arith.constant 0 : i32
      %cond3A_427 = arith.cmpi ne, %convert_element_type3A, %cond3A : i32
      scf.if %cond3A_427 {
        %dma_wait3A_722 = arith.constant 0 : i32
        %dma_wait3A_723 = arith.constant 0 : i32
        %dma_wait3A_724 = tpu.memref_slice %arg12[%scan3A_160, %dma_wait3A_722, %dma_wait3A_723] : memref<8x8x1024xf32, #tpu.memory_space<vmem>> -> memref<1x8x1024xf32, #tpu.memory_space<vmem>>
        %dma_wait3A_725 = tpu.memref_squeeze %dma_wait3A_724 : memref<1x8x1024xf32, #tpu.memory_space<vmem>> -> memref<8x1024xf32, #tpu.memory_space<vmem>>
        %dma_wait3A_726 = arith.constant 0 : i32
        %dma_wait3A_727 = arith.constant 0 : i32
        %dma_wait3A_728 = tpu.memref_slice %arg7[%dma_wait3A_726, %dma_wait3A_727] : memref<32768x1024xf32, #tpu.memory_space<hbm>> -> memref<8x1024xf32, #tpu.memory_space<hbm>>
        %dma_wait3A_729 = tpu.memref_slice %arg17[%scan3A_162] : memref<8x!tpu.dma_semaphore, #tpu.memory_space<semaphore_mem>> -> memref<1x!tpu.dma_semaphore, #tpu.memory_space<semaphore_mem>>
        %dma_wait3A_730 = tpu.memref_squeeze %dma_wait3A_729 : memref<1x!tpu.dma_semaphore, #tpu.memory_space<semaphore_mem>> -> memref<!tpu.dma_semaphore, #tpu.memory_space<semaphore_mem>>
        %dma_wait3A_731 = arith.constant 0 : i32
        %dma_wait3A_732 = arith.constant 0 : i32
        %dma_wait3A_733 = tpu.memref_slice %arg7[%dma_wait3A_731, %dma_wait3A_732] : memref<32768x1024xf32, #tpu.memory_space<hbm>> -> memref<8x1024xf32, #tpu.memory_space<hbm>>
        %dma_wait3A_734 = arith.constant 0 : i32
        %dma_wait3A_735 = arith.constant 0 : i32
        %dma_wait3A_736 = tpu.memref_slice %arg12[%scan3A_160, %dma_wait3A_734, %dma_wait3A_735] : memref<8x8x1024xf32, #tpu.memory_space<vmem>> -> memref<1x8x1024xf32, #tpu.memory_space<vmem>>
        %dma_wait3A_737 = tpu.memref_squeeze %dma_wait3A_736 : memref<1x8x1024xf32, #tpu.memory_space<vmem>> -> memref<8x1024xf32, #tpu.memory_space<vmem>>
        tpu.wait_dma2 semaphore(%dma_wait3A_730 : memref<!tpu.dma_semaphore, #tpu.memory_space<semaphore_mem>>) src(%dma_wait3A_737 : memref<8x1024xf32, #tpu.memory_space<vmem>>) dst(%dma_wait3A_733 : memref<8x1024xf32, #tpu.memory_space<hbm>>)
        %add3A_738 = arith.constant 8 : i32
        %add3A_739 = arith.addi %add3A_392, %add3A_738 : i32
        %mul3A_740 = arith.constant 8 : i32
        %mul3A_741 = arith.muli %add3A_739, %mul3A_740 : i32
        %dma_start3A_742 = arith.constant 0 : i32
        %dma_start3A_743 = arith.constant 0 : i32
        %dma_start3A_744 = tpu.memref_slice %arg12[%scan3A_160, %dma_start3A_742, %dma_start3A_743] : memref<8x8x1024xf32, #tpu.memory_space<vmem>> -> memref<1x8x1024xf32, #tpu.memory_space<vmem>>
        %dma_start3A_745 = tpu.memref_squeeze %dma_start3A_744 : memref<1x8x1024xf32, #tpu.memory_space<vmem>> -> memref<8x1024xf32, #tpu.memory_space<vmem>>
        %dma_start3A_746 = tpu.memref_slice %arg9[%mul3A_741] : memref<1024xi32, #tpu.memory_space<vmem>> -> memref<8xi32, #tpu.memory_space<vmem>>
        %dma_start3A_747 = arith.constant 0 : i32
        %dma_start3A_748 = arith.constant 0 : i32
        %dma_start3A_749 = tpu.memref_slice %arg5[%dma_start3A_747, %dma_start3A_748] : memref<1000x1024xf32, #tpu.memory_space<hbm>> -> memref<1000x1024xf32, #tpu.memory_space<hbm>>
        %dma_start3A_750 = tpu.memref_slice %arg16[%scan3A_161] : memref<8x!tpu.dma_semaphore, #tpu.memory_space<semaphore_mem>> -> memref<1x!tpu.dma_semaphore, #tpu.memory_space<semaphore_mem>>
        %dma_start3A_751 = tpu.memref_squeeze %dma_start3A_750 : memref<1x!tpu.dma_semaphore, #tpu.memory_space<semaphore_mem>> -> memref<!tpu.dma_semaphore, #tpu.memory_space<semaphore_mem>>
        tpu.enqueue_indirect_dma source(%dma_start3A_749 : memref<1000x1024xf32, #tpu.memory_space<hbm>>) target(%dma_start3A_745 : memref<8x1024xf32, #tpu.memory_space<vmem>>) offsets(%dma_start3A_746 : memref<8xi32, #tpu.memory_space<vmem>>) semaphore(%dma_start3A_751 : memref<!tpu.dma_semaphore, #tpu.memory_space<semaphore_mem>>)
      } else {
      }
      %mul3A_428 = arith.constant 8 : i32
      %mul3A_429 = arith.muli %scan3A_388, %mul3A_428 : i32
      %add3A_430 = arith.constant 1 : i32
      %add3A_431 = arith.addi %mul3A_429, %add3A_430 : i32
      %dma_wait3A_432 = arith.constant 0 : i32
      %dma_wait3A_433 = arith.constant 0 : i32
      %dma_wait3A_434 = tpu.memref_slice %arg12[%scan3A_163, %dma_wait3A_432, %dma_wait3A_433] : memref<8x8x1024xf32, #tpu.memory_space<vmem>> -> memref<1x8x1024xf32, #tpu.memory_space<vmem>>
      %dma_wait3A_435 = tpu.memref_squeeze %dma_wait3A_434 : memref<1x8x1024xf32, #tpu.memory_space<vmem>> -> memref<8x1024xf32, #tpu.memory_space<vmem>>
      %dma_wait3A_436 = arith.constant 0 : i32
      %dma_wait3A_437 = arith.constant 0 : i32
      %dma_wait3A_438 = tpu.memref_slice %arg5[%dma_wait3A_436, %dma_wait3A_437] : memref<1000x1024xf32, #tpu.memory_space<hbm>> -> memref<8x1024xf32, #tpu.memory_space<hbm>>
      %dma_wait3A_439 = tpu.memref_slice %arg16[%scan3A_164] : memref<8x!tpu.dma_semaphore, #tpu.memory_space<semaphore_mem>> -> memref<1x!tpu.dma_semaphore, #tpu.memory_space<semaphore_mem>>
      %dma_wait3A_440 = tpu.memref_squeeze %dma_wait3A_439 : memref<1x!tpu.dma_semaphore, #tpu.memory_space<semaphore_mem>> -> memref<!tpu.dma_semaphore, #tpu.memory_space<semaphore_mem>>
      %dma_wait3A_441 = arith.constant 0 : i32
      %dma_wait3A_442 = arith.constant 0 : i32
      %dma_wait3A_443 = tpu.memref_slice %arg12[%scan3A_163, %dma_wait3A_441, %dma_wait3A_442] : memref<8x8x1024xf32, #tpu.memory_space<vmem>> -> memref<1x8x1024xf32, #tpu.memory_space<vmem>>
      %dma_wait3A_444 = tpu.memref_squeeze %dma_wait3A_443 : memref<1x8x1024xf32, #tpu.memory_space<vmem>> -> memref<8x1024xf32, #tpu.memory_space<vmem>>
      %dma_wait3A_445 = arith.constant 0 : i32
      %dma_wait3A_446 = arith.constant 0 : i32
      %dma_wait3A_447 = tpu.memref_slice %arg5[%dma_wait3A_445, %dma_wait3A_446] : memref<1000x1024xf32, #tpu.memory_space<hbm>> -> memref<8x1024xf32, #tpu.memory_space<hbm>>
      tpu.wait_dma2 semaphore(%dma_wait3A_440 : memref<!tpu.dma_semaphore, #tpu.memory_space<semaphore_mem>>) src(%dma_wait3A_447 : memref<8x1024xf32, #tpu.memory_space<hbm>>) dst(%dma_wait3A_444 : memref<8x1024xf32, #tpu.memory_space<vmem>>)
      %mul3A_448 = arith.constant 8 : i32
      %mul3A_449 = arith.muli %add3A_431, %mul3A_448 : i32
      %add3A_450 = arith.addi %mul3A_2, %mul3A_449 : i32
      %dma_start3A_451 = arith.constant 0 : i32
      %dma_start3A_452 = arith.constant 0 : i32
      %dma_start3A_453 = tpu.memref_slice %arg12[%scan3A_163, %dma_start3A_451, %dma_start3A_452] : memref<8x8x1024xf32, #tpu.memory_space<vmem>> -> memref<1x8x1024xf32, #tpu.memory_space<vmem>>
      %dma_start3A_454 = tpu.memref_squeeze %dma_start3A_453 : memref<1x8x1024xf32, #tpu.memory_space<vmem>> -> memref<8x1024xf32, #tpu.memory_space<vmem>>
      %dma_start3A_455 = arith.constant 0 : i32
      %dma_start3A_456 = tpu.memref_slice %arg7[%add3A_450, %dma_start3A_455] : memref<32768x1024xf32, #tpu.memory_space<hbm>> -> memref<8x1024xf32, #tpu.memory_space<hbm>>
      %dma_start3A_457 = tpu.memref_slice %arg17[%scan3A_165] : memref<8x!tpu.dma_semaphore, #tpu.memory_space<semaphore_mem>> -> memref<1x!tpu.dma_semaphore, #tpu.memory_space<semaphore_mem>>
      %dma_start3A_458 = tpu.memref_squeeze %dma_start3A_457 : memref<1x!tpu.dma_semaphore, #tpu.memory_space<semaphore_mem>> -> memref<!tpu.dma_semaphore, #tpu.memory_space<semaphore_mem>>
      %dma_start3A_459 = arith.constant 0 : i32
      %dma_start3A_460 = tpu.memref_slice %arg7[%add3A_450, %dma_start3A_459] : memref<32768x1024xf32, #tpu.memory_space<hbm>> -> memref<8x1024xf32, #tpu.memory_space<hbm>>
      %dma_start3A_461 = arith.constant 0 : i32
      %dma_start3A_462 = arith.constant 0 : i32
      %dma_start3A_463 = tpu.memref_slice %arg12[%scan3A_163, %dma_start3A_461, %dma_start3A_462] : memref<8x8x1024xf32, #tpu.memory_space<vmem>> -> memref<1x8x1024xf32, #tpu.memory_space<vmem>>
      %dma_start3A_464 = tpu.memref_squeeze %dma_start3A_463 : memref<1x8x1024xf32, #tpu.memory_space<vmem>> -> memref<8x1024xf32, #tpu.memory_space<vmem>>
      tpu.enqueue_dma source(%dma_start3A_464 : memref<8x1024xf32, #tpu.memory_space<vmem>>) target(%dma_start3A_460 : memref<8x1024xf32, #tpu.memory_space<hbm>>) target_semaphore(%dma_start3A_458 : memref<!tpu.dma_semaphore, #tpu.memory_space<semaphore_mem>>)
      %lt3A_465 = arith.constant 15 : i32
      %lt3A_466 = arith.cmpi slt, %scan3A_388, %lt3A_465 : i32
      %convert_element_type3A_467 = arith.extui %lt3A_466 : i1 to i32
      %cond3A_468 = arith.constant 0 : i32
      %cond3A_469 = arith.cmpi ne, %convert_element_type3A_467, %cond3A_468 : i32
      scf.if %cond3A_469 {
        %dma_wait3A_722 = arith.constant 0 : i32
        %dma_wait3A_723 = arith.constant 0 : i32
        %dma_wait3A_724 = tpu.memref_slice %arg12[%scan3A_163, %dma_wait3A_722, %dma_wait3A_723] : memref<8x8x1024xf32, #tpu.memory_space<vmem>> -> memref<1x8x1024xf32, #tpu.memory_space<vmem>>
        %dma_wait3A_725 = tpu.memref_squeeze %dma_wait3A_724 : memref<1x8x1024xf32, #tpu.memory_space<vmem>> -> memref<8x1024xf32, #tpu.memory_space<vmem>>
        %dma_wait3A_726 = arith.constant 0 : i32
        %dma_wait3A_727 = arith.constant 0 : i32
        %dma_wait3A_728 = tpu.memref_slice %arg7[%dma_wait3A_726, %dma_wait3A_727] : memref<32768x1024xf32, #tpu.memory_space<hbm>> -> memref<8x1024xf32, #tpu.memory_space<hbm>>
        %dma_wait3A_729 = tpu.memref_slice %arg17[%scan3A_165] : memref<8x!tpu.dma_semaphore, #tpu.memory_space<semaphore_mem>> -> memref<1x!tpu.dma_semaphore, #tpu.memory_space<semaphore_mem>>
        %dma_wait3A_730 = tpu.memref_squeeze %dma_wait3A_729 : memref<1x!tpu.dma_semaphore, #tpu.memory_space<semaphore_mem>> -> memref<!tpu.dma_semaphore, #tpu.memory_space<semaphore_mem>>
        %dma_wait3A_731 = arith.constant 0 : i32
        %dma_wait3A_732 = arith.constant 0 : i32
        %dma_wait3A_733 = tpu.memref_slice %arg7[%dma_wait3A_731, %dma_wait3A_732] : memref<32768x1024xf32, #tpu.memory_space<hbm>> -> memref<8x1024xf32, #tpu.memory_space<hbm>>
        %dma_wait3A_734 = arith.constant 0 : i32
        %dma_wait3A_735 = arith.constant 0 : i32
        %dma_wait3A_736 = tpu.memref_slice %arg12[%scan3A_163, %dma_wait3A_734, %dma_wait3A_735] : memref<8x8x1024xf32, #tpu.memory_space<vmem>> -> memref<1x8x1024xf32, #tpu.memory_space<vmem>>
        %dma_wait3A_737 = tpu.memref_squeeze %dma_wait3A_736 : memref<1x8x1024xf32, #tpu.memory_space<vmem>> -> memref<8x1024xf32, #tpu.memory_space<vmem>>
        tpu.wait_dma2 semaphore(%dma_wait3A_730 : memref<!tpu.dma_semaphore, #tpu.memory_space<semaphore_mem>>) src(%dma_wait3A_737 : memref<8x1024xf32, #tpu.memory_space<vmem>>) dst(%dma_wait3A_733 : memref<8x1024xf32, #tpu.memory_space<hbm>>)
        %add3A_738 = arith.constant 8 : i32
        %add3A_739 = arith.addi %add3A_431, %add3A_738 : i32
        %mul3A_740 = arith.constant 8 : i32
        %mul3A_741 = arith.muli %add3A_739, %mul3A_740 : i32
        %dma_start3A_742 = arith.constant 0 : i32
        %dma_start3A_743 = arith.constant 0 : i32
        %dma_start3A_744 = tpu.memref_slice %arg12[%scan3A_163, %dma_start3A_742, %dma_start3A_743] : memref<8x8x1024xf32, #tpu.memory_space<vmem>> -> memref<1x8x1024xf32, #tpu.memory_space<vmem>>
        %dma_start3A_745 = tpu.memref_squeeze %dma_start3A_744 : memref<1x8x1024xf32, #tpu.memory_space<vmem>> -> memref<8x1024xf32, #tpu.memory_space<vmem>>
        %dma_start3A_746 = tpu.memref_slice %arg9[%mul3A_741] : memref<1024xi32, #tpu.memory_space<vmem>> -> memref<8xi32, #tpu.memory_space<vmem>>
        %dma_start3A_747 = arith.constant 0 : i32
        %dma_start3A_748 = arith.constant 0 : i32
        %dma_start3A_749 = tpu.memref_slice %arg5[%dma_start3A_747, %dma_start3A_748] : memref<1000x1024xf32, #tpu.memory_space<hbm>> -> memref<1000x1024xf32, #tpu.memory_space<hbm>>
        %dma_start3A_750 = tpu.memref_slice %arg16[%scan3A_164] : memref<8x!tpu.dma_semaphore, #tpu.memory_space<semaphore_mem>> -> memref<1x!tpu.dma_semaphore, #tpu.memory_space<semaphore_mem>>
        %dma_start3A_751 = tpu.memref_squeeze %dma_start3A_750 : memref<1x!tpu.dma_semaphore, #tpu.memory_space<semaphore_mem>> -> memref<!tpu.dma_semaphore, #tpu.memory_space<semaphore_mem>>
        tpu.enqueue_indirect_dma source(%dma_start3A_749 : memref<1000x1024xf32, #tpu.memory_space<hbm>>) target(%dma_start3A_745 : memref<8x1024xf32, #tpu.memory_space<vmem>>) offsets(%dma_start3A_746 : memref<8xi32, #tpu.memory_space<vmem>>) semaphore(%dma_start3A_751 : memref<!tpu.dma_semaphore, #tpu.memory_space<semaphore_mem>>)
      } else {
      }
      %mul3A_470 = arith.constant 8 : i32
      %mul3A_471 = arith.muli %scan3A_388, %mul3A_470 : i32
      %add3A_472 = arith.constant 2 : i32
      %add3A_473 = arith.addi %mul3A_471, %add3A_472 : i32
      %dma_wait3A_474 = arith.constant 0 : i32
      %dma_wait3A_475 = arith.constant 0 : i32
      %dma_wait3A_476 = tpu.memref_slice %arg12[%scan3A_166, %dma_wait3A_474, %dma_wait3A_475] : memref<8x8x1024xf32, #tpu.memory_space<vmem>> -> memref<1x8x1024xf32, #tpu.memory_space<vmem>>
      %dma_wait3A_477 = tpu.memref_squeeze %dma_wait3A_476 : memref<1x8x1024xf32, #tpu.memory_space<vmem>> -> memref<8x1024xf32, #tpu.memory_space<vmem>>
      %dma_wait3A_478 = arith.constant 0 : i32
      %dma_wait3A_479 = arith.constant 0 : i32
      %dma_wait3A_480 = tpu.memref_slice %arg5[%dma_wait3A_478, %dma_wait3A_479] : memref<1000x1024xf32, #tpu.memory_space<hbm>> -> memref<8x1024xf32, #tpu.memory_space<hbm>>
      %dma_wait3A_481 = tpu.memref_slice %arg16[%scan3A_167] : memref<8x!tpu.dma_semaphore, #tpu.memory_space<semaphore_mem>> -> memref<1x!tpu.dma_semaphore, #tpu.memory_space<semaphore_mem>>
      %dma_wait3A_482 = tpu.memref_squeeze %dma_wait3A_481 : memref<1x!tpu.dma_semaphore, #tpu.memory_space<semaphore_mem>> -> memref<!tpu.dma_semaphore, #tpu.memory_space<semaphore_mem>>
      %dma_wait3A_483 = arith.constant 0 : i32
      %dma_wait3A_484 = arith.constant 0 : i32
      %dma_wait3A_485 = tpu.memref_slice %arg12[%scan3A_166, %dma_wait3A_483, %dma_wait3A_484] : memref<8x8x1024xf32, #tpu.memory_space<vmem>> -> memref<1x8x1024xf32, #tpu.memory_space<vmem>>
      %dma_wait3A_486 = tpu.memref_squeeze %dma_wait3A_485 : memref<1x8x1024xf32, #tpu.memory_space<vmem>> -> memref<8x1024xf32, #tpu.memory_space<vmem>>
      %dma_wait3A_487 = arith.constant 0 : i32
      %dma_wait3A_488 = arith.constant 0 : i32
      %dma_wait3A_489 = tpu.memref_slice %arg5[%dma_wait3A_487, %dma_wait3A_488] : memref<1000x1024xf32, #tpu.memory_space<hbm>> -> memref<8x1024xf32, #tpu.memory_space<hbm>>
      tpu.wait_dma2 semaphore(%dma_wait3A_482 : memref<!tpu.dma_semaphore, #tpu.memory_space<semaphore_mem>>) src(%dma_wait3A_489 : memref<8x1024xf32, #tpu.memory_space<hbm>>) dst(%dma_wait3A_486 : memref<8x1024xf32, #tpu.memory_space<vmem>>)
      %mul3A_490 = arith.constant 8 : i32
      %mul3A_491 = arith.muli %add3A_473, %mul3A_490 : i32
      %add3A_492 = arith.addi %mul3A_2, %mul3A_491 : i32
      %dma_start3A_493 = arith.constant 0 : i32
      %dma_start3A_494 = arith.constant 0 : i32
      %dma_start3A_495 = tpu.memref_slice %arg12[%scan3A_166, %dma_start3A_493, %dma_start3A_494] : memref<8x8x1024xf32, #tpu.memory_space<vmem>> -> memref<1x8x1024xf32, #tpu.memory_space<vmem>>
      %dma_start3A_496 = tpu.memref_squeeze %dma_start3A_495 : memref<1x8x1024xf32, #tpu.memory_space<vmem>> -> memref<8x1024xf32, #tpu.memory_space<vmem>>
      %dma_start3A_497 = arith.constant 0 : i32
      %dma_start3A_498 = tpu.memref_slice %arg7[%add3A_492, %dma_start3A_497] : memref<32768x1024xf32, #tpu.memory_space<hbm>> -> memref<8x1024xf32, #tpu.memory_space<hbm>>
      %dma_start3A_499 = tpu.memref_slice %arg17[%scan3A_168] : memref<8x!tpu.dma_semaphore, #tpu.memory_space<semaphore_mem>> -> memref<1x!tpu.dma_semaphore, #tpu.memory_space<semaphore_mem>>
      %dma_start3A_500 = tpu.memref_squeeze %dma_start3A_499 : memref<1x!tpu.dma_semaphore, #tpu.memory_space<semaphore_mem>> -> memref<!tpu.dma_semaphore, #tpu.memory_space<semaphore_mem>>
      %dma_start3A_501 = arith.constant 0 : i32
      %dma_start3A_502 = tpu.memref_slice %arg7[%add3A_492, %dma_start3A_501] : memref<32768x1024xf32, #tpu.memory_space<hbm>> -> memref<8x1024xf32, #tpu.memory_space<hbm>>
      %dma_start3A_503 = arith.constant 0 : i32
      %dma_start3A_504 = arith.constant 0 : i32
      %dma_start3A_505 = tpu.memref_slice %arg12[%scan3A_166, %dma_start3A_503, %dma_start3A_504] : memref<8x8x1024xf32, #tpu.memory_space<vmem>> -> memref<1x8x1024xf32, #tpu.memory_space<vmem>>
      %dma_start3A_506 = tpu.memref_squeeze %dma_start3A_505 : memref<1x8x1024xf32, #tpu.memory_space<vmem>> -> memref<8x1024xf32, #tpu.memory_space<vmem>>
      tpu.enqueue_dma source(%dma_start3A_506 : memref<8x1024xf32, #tpu.memory_space<vmem>>) target(%dma_start3A_502 : memref<8x1024xf32, #tpu.memory_space<hbm>>) target_semaphore(%dma_start3A_500 : memref<!tpu.dma_semaphore, #tpu.memory_space<semaphore_mem>>)
      %lt3A_507 = arith.constant 15 : i32
      %lt3A_508 = arith.cmpi slt, %scan3A_388, %lt3A_507 : i32
      %convert_element_type3A_509 = arith.extui %lt3A_508 : i1 to i32
      %cond3A_510 = arith.constant 0 : i32
      %cond3A_511 = arith.cmpi ne, %convert_element_type3A_509, %cond3A_510 : i32
      scf.if %cond3A_511 {
        %dma_wait3A_722 = arith.constant 0 : i32
        %dma_wait3A_723 = arith.constant 0 : i32
        %dma_wait3A_724 = tpu.memref_slice %arg12[%scan3A_166, %dma_wait3A_722, %dma_wait3A_723] : memref<8x8x1024xf32, #tpu.memory_space<vmem>> -> memref<1x8x1024xf32, #tpu.memory_space<vmem>>
        %dma_wait3A_725 = tpu.memref_squeeze %dma_wait3A_724 : memref<1x8x1024xf32, #tpu.memory_space<vmem>> -> memref<8x1024xf32, #tpu.memory_space<vmem>>
        %dma_wait3A_726 = arith.constant 0 : i32
        %dma_wait3A_727 = arith.constant 0 : i32
        %dma_wait3A_728 = tpu.memref_slice %arg7[%dma_wait3A_726, %dma_wait3A_727] : memref<32768x1024xf32, #tpu.memory_space<hbm>> -> memref<8x1024xf32, #tpu.memory_space<hbm>>
        %dma_wait3A_729 = tpu.memref_slice %arg17[%scan3A_168] : memref<8x!tpu.dma_semaphore, #tpu.memory_space<semaphore_mem>> -> memref<1x!tpu.dma_semaphore, #tpu.memory_space<semaphore_mem>>
        %dma_wait3A_730 = tpu.memref_squeeze %dma_wait3A_729 : memref<1x!tpu.dma_semaphore, #tpu.memory_space<semaphore_mem>> -> memref<!tpu.dma_semaphore, #tpu.memory_space<semaphore_mem>>
        %dma_wait3A_731 = arith.constant 0 : i32
        %dma_wait3A_732 = arith.constant 0 : i32
        %dma_wait3A_733 = tpu.memref_slice %arg7[%dma_wait3A_731, %dma_wait3A_732] : memref<32768x1024xf32, #tpu.memory_space<hbm>> -> memref<8x1024xf32, #tpu.memory_space<hbm>>
        %dma_wait3A_734 = arith.constant 0 : i32
        %dma_wait3A_735 = arith.constant 0 : i32
        %dma_wait3A_736 = tpu.memref_slice %arg12[%scan3A_166, %dma_wait3A_734, %dma_wait3A_735] : memref<8x8x1024xf32, #tpu.memory_space<vmem>> -> memref<1x8x1024xf32, #tpu.memory_space<vmem>>
        %dma_wait3A_737 = tpu.memref_squeeze %dma_wait3A_736 : memref<1x8x1024xf32, #tpu.memory_space<vmem>> -> memref<8x1024xf32, #tpu.memory_space<vmem>>
        tpu.wait_dma2 semaphore(%dma_wait3A_730 : memref<!tpu.dma_semaphore, #tpu.memory_space<semaphore_mem>>) src(%dma_wait3A_737 : memref<8x1024xf32, #tpu.memory_space<vmem>>) dst(%dma_wait3A_733 : memref<8x1024xf32, #tpu.memory_space<hbm>>)
        %add3A_738 = arith.constant 8 : i32
        %add3A_739 = arith.addi %add3A_473, %add3A_738 : i32
        %mul3A_740 = arith.constant 8 : i32
        %mul3A_741 = arith.muli %add3A_739, %mul3A_740 : i32
        %dma_start3A_742 = arith.constant 0 : i32
        %dma_start3A_743 = arith.constant 0 : i32
        %dma_start3A_744 = tpu.memref_slice %arg12[%scan3A_166, %dma_start3A_742, %dma_start3A_743] : memref<8x8x1024xf32, #tpu.memory_space<vmem>> -> memref<1x8x1024xf32, #tpu.memory_space<vmem>>
        %dma_start3A_745 = tpu.memref_squeeze %dma_start3A_744 : memref<1x8x1024xf32, #tpu.memory_space<vmem>> -> memref<8x1024xf32, #tpu.memory_space<vmem>>
        %dma_start3A_746 = tpu.memref_slice %arg9[%mul3A_741] : memref<1024xi32, #tpu.memory_space<vmem>> -> memref<8xi32, #tpu.memory_space<vmem>>
        %dma_start3A_747 = arith.constant 0 : i32
        %dma_start3A_748 = arith.constant 0 : i32
        %dma_start3A_749 = tpu.memref_slice %arg5[%dma_start3A_747, %dma_start3A_748] : memref<1000x1024xf32, #tpu.memory_space<hbm>> -> memref<1000x1024xf32, #tpu.memory_space<hbm>>
        %dma_start3A_750 = tpu.memref_slice %arg16[%scan3A_167] : memref<8x!tpu.dma_semaphore, #tpu.memory_space<semaphore_mem>> -> memref<1x!tpu.dma_semaphore, #tpu.memory_space<semaphore_mem>>
        %dma_start3A_751 = tpu.memref_squeeze %dma_start3A_750 : memref<1x!tpu.dma_semaphore, #tpu.memory_space<semaphore_mem>> -> memref<!tpu.dma_semaphore, #tpu.memory_space<semaphore_mem>>
        tpu.enqueue_indirect_dma source(%dma_start3A_749 : memref<1000x1024xf32, #tpu.memory_space<hbm>>) target(%dma_start3A_745 : memref<8x1024xf32, #tpu.memory_space<vmem>>) offsets(%dma_start3A_746 : memref<8xi32, #tpu.memory_space<vmem>>) semaphore(%dma_start3A_751 : memref<!tpu.dma_semaphore, #tpu.memory_space<semaphore_mem>>)
      } else {
      }
      %mul3A_512 = arith.constant 8 : i32
      %mul3A_513 = arith.muli %scan3A_388, %mul3A_512 : i32
      %add3A_514 = arith.constant 3 : i32
      %add3A_515 = arith.addi %mul3A_513, %add3A_514 : i32
      %dma_wait3A_516 = arith.constant 0 : i32
      %dma_wait3A_517 = arith.constant 0 : i32
      %dma_wait3A_518 = tpu.memref_slice %arg12[%scan3A_169, %dma_wait3A_516, %dma_wait3A_517] : memref<8x8x1024xf32, #tpu.memory_space<vmem>> -> memref<1x8x1024xf32, #tpu.memory_space<vmem>>
      %dma_wait3A_519 = tpu.memref_squeeze %dma_wait3A_518 : memref<1x8x1024xf32, #tpu.memory_space<vmem>> -> memref<8x1024xf32, #tpu.memory_space<vmem>>
      %dma_wait3A_520 = arith.constant 0 : i32
      %dma_wait3A_521 = arith.constant 0 : i32
      %dma_wait3A_522 = tpu.memref_slice %arg5[%dma_wait3A_520, %dma_wait3A_521] : memref<1000x1024xf32, #tpu.memory_space<hbm>> -> memref<8x1024xf32, #tpu.memory_space<hbm>>
      %dma_wait3A_523 = tpu.memref_slice %arg16[%scan3A_170] : memref<8x!tpu.dma_semaphore, #tpu.memory_space<semaphore_mem>> -> memref<1x!tpu.dma_semaphore, #tpu.memory_space<semaphore_mem>>
      %dma_wait3A_524 = tpu.memref_squeeze %dma_wait3A_523 : memref<1x!tpu.dma_semaphore, #tpu.memory_space<semaphore_mem>> -> memref<!tpu.dma_semaphore, #tpu.memory_space<semaphore_mem>>
      %dma_wait3A_525 = arith.constant 0 : i32
      %dma_wait3A_526 = arith.constant 0 : i32
      %dma_wait3A_527 = tpu.memref_slice %arg12[%scan3A_169, %dma_wait3A_525, %dma_wait3A_526] : memref<8x8x1024xf32, #tpu.memory_space<vmem>> -> memref<1x8x1024xf32, #tpu.memory_space<vmem>>
      %dma_wait3A_528 = tpu.memref_squeeze %dma_wait3A_527 : memref<1x8x1024xf32, #tpu.memory_space<vmem>> -> memref<8x1024xf32, #tpu.memory_space<vmem>>
      %dma_wait3A_529 = arith.constant 0 : i32
      %dma_wait3A_530 = arith.constant 0 : i32
      %dma_wait3A_531 = tpu.memref_slice %arg5[%dma_wait3A_529, %dma_wait3A_530] : memref<1000x1024xf32, #tpu.memory_space<hbm>> -> memref<8x1024xf32, #tpu.memory_space<hbm>>
      tpu.wait_dma2 semaphore(%dma_wait3A_524 : memref<!tpu.dma_semaphore, #tpu.memory_space<semaphore_mem>>) src(%dma_wait3A_531 : memref<8x1024xf32, #tpu.memory_space<hbm>>) dst(%dma_wait3A_528 : memref<8x1024xf32, #tpu.memory_space<vmem>>)
      %mul3A_532 = arith.constant 8 : i32
      %mul3A_533 = arith.muli %add3A_515, %mul3A_532 : i32
      %add3A_534 = arith.addi %mul3A_2, %mul3A_533 : i32
      %dma_start3A_535 = arith.constant 0 : i32
      %dma_start3A_536 = arith.constant 0 : i32
      %dma_start3A_537 = tpu.memref_slice %arg12[%scan3A_169, %dma_start3A_535, %dma_start3A_536] : memref<8x8x1024xf32, #tpu.memory_space<vmem>> -> memref<1x8x1024xf32, #tpu.memory_space<vmem>>
      %dma_start3A_538 = tpu.memref_squeeze %dma_start3A_537 : memref<1x8x1024xf32, #tpu.memory_space<vmem>> -> memref<8x1024xf32, #tpu.memory_space<vmem>>
      %dma_start3A_539 = arith.constant 0 : i32
      %dma_start3A_540 = tpu.memref_slice %arg7[%add3A_534, %dma_start3A_539] : memref<32768x1024xf32, #tpu.memory_space<hbm>> -> memref<8x1024xf32, #tpu.memory_space<hbm>>
      %dma_start3A_541 = tpu.memref_slice %arg17[%scan3A_171] : memref<8x!tpu.dma_semaphore, #tpu.memory_space<semaphore_mem>> -> memref<1x!tpu.dma_semaphore, #tpu.memory_space<semaphore_mem>>
      %dma_start3A_542 = tpu.memref_squeeze %dma_start3A_541 : memref<1x!tpu.dma_semaphore, #tpu.memory_space<semaphore_mem>> -> memref<!tpu.dma_semaphore, #tpu.memory_space<semaphore_mem>>
      %dma_start3A_543 = arith.constant 0 : i32
      %dma_start3A_544 = tpu.memref_slice %arg7[%add3A_534, %dma_start3A_543] : memref<32768x1024xf32, #tpu.memory_space<hbm>> -> memref<8x1024xf32, #tpu.memory_space<hbm>>
      %dma_start3A_545 = arith.constant 0 : i32
      %dma_start3A_546 = arith.constant 0 : i32
      %dma_start3A_547 = tpu.memref_slice %arg12[%scan3A_169, %dma_start3A_545, %dma_start3A_546] : memref<8x8x1024xf32, #tpu.memory_space<vmem>> -> memref<1x8x1024xf32, #tpu.memory_space<vmem>>
      %dma_start3A_548 = tpu.memref_squeeze %dma_start3A_547 : memref<1x8x1024xf32, #tpu.memory_space<vmem>> -> memref<8x1024xf32, #tpu.memory_space<vmem>>
      tpu.enqueue_dma source(%dma_start3A_548 : memref<8x1024xf32, #tpu.memory_space<vmem>>) target(%dma_start3A_544 : memref<8x1024xf32, #tpu.memory_space<hbm>>) target_semaphore(%dma_start3A_542 : memref<!tpu.dma_semaphore, #tpu.memory_space<semaphore_mem>>)
      %lt3A_549 = arith.constant 15 : i32
      %lt3A_550 = arith.cmpi slt, %scan3A_388, %lt3A_549 : i32
      %convert_element_type3A_551 = arith.extui %lt3A_550 : i1 to i32
      %cond3A_552 = arith.constant 0 : i32
      %cond3A_553 = arith.cmpi ne, %convert_element_type3A_551, %cond3A_552 : i32
      scf.if %cond3A_553 {
        %dma_wait3A_722 = arith.constant 0 : i32
        %dma_wait3A_723 = arith.constant 0 : i32
        %dma_wait3A_724 = tpu.memref_slice %arg12[%scan3A_169, %dma_wait3A_722, %dma_wait3A_723] : memref<8x8x1024xf32, #tpu.memory_space<vmem>> -> memref<1x8x1024xf32, #tpu.memory_space<vmem>>
        %dma_wait3A_725 = tpu.memref_squeeze %dma_wait3A_724 : memref<1x8x1024xf32, #tpu.memory_space<vmem>> -> memref<8x1024xf32, #tpu.memory_space<vmem>>
        %dma_wait3A_726 = arith.constant 0 : i32
        %dma_wait3A_727 = arith.constant 0 : i32
        %dma_wait3A_728 = tpu.memref_slice %arg7[%dma_wait3A_726, %dma_wait3A_727] : memref<32768x1024xf32, #tpu.memory_space<hbm>> -> memref<8x1024xf32, #tpu.memory_space<hbm>>
        %dma_wait3A_729 = tpu.memref_slice %arg17[%scan3A_171] : memref<8x!tpu.dma_semaphore, #tpu.memory_space<semaphore_mem>> -> memref<1x!tpu.dma_semaphore, #tpu.memory_space<semaphore_mem>>
        %dma_wait3A_730 = tpu.memref_squeeze %dma_wait3A_729 : memref<1x!tpu.dma_semaphore, #tpu.memory_space<semaphore_mem>> -> memref<!tpu.dma_semaphore, #tpu.memory_space<semaphore_mem>>
        %dma_wait3A_731 = arith.constant 0 : i32
        %dma_wait3A_732 = arith.constant 0 : i32
        %dma_wait3A_733 = tpu.memref_slice %arg7[%dma_wait3A_731, %dma_wait3A_732] : memref<32768x1024xf32, #tpu.memory_space<hbm>> -> memref<8x1024xf32, #tpu.memory_space<hbm>>
        %dma_wait3A_734 = arith.constant 0 : i32
        %dma_wait3A_735 = arith.constant 0 : i32
        %dma_wait3A_736 = tpu.memref_slice %arg12[%scan3A_169, %dma_wait3A_734, %dma_wait3A_735] : memref<8x8x1024xf32, #tpu.memory_space<vmem>> -> memref<1x8x1024xf32, #tpu.memory_space<vmem>>
        %dma_wait3A_737 = tpu.memref_squeeze %dma_wait3A_736 : memref<1x8x1024xf32, #tpu.memory_space<vmem>> -> memref<8x1024xf32, #tpu.memory_space<vmem>>
        tpu.wait_dma2 semaphore(%dma_wait3A_730 : memref<!tpu.dma_semaphore, #tpu.memory_space<semaphore_mem>>) src(%dma_wait3A_737 : memref<8x1024xf32, #tpu.memory_space<vmem>>) dst(%dma_wait3A_733 : memref<8x1024xf32, #tpu.memory_space<hbm>>)
        %add3A_738 = arith.constant 8 : i32
        %add3A_739 = arith.addi %add3A_515, %add3A_738 : i32
        %mul3A_740 = arith.constant 8 : i32
        %mul3A_741 = arith.muli %add3A_739, %mul3A_740 : i32
        %dma_start3A_742 = arith.constant 0 : i32
        %dma_start3A_743 = arith.constant 0 : i32
        %dma_start3A_744 = tpu.memref_slice %arg12[%scan3A_169, %dma_start3A_742, %dma_start3A_743] : memref<8x8x1024xf32, #tpu.memory_space<vmem>> -> memref<1x8x1024xf32, #tpu.memory_space<vmem>>
        %dma_start3A_745 = tpu.memref_squeeze %dma_start3A_744 : memref<1x8x1024xf32, #tpu.memory_space<vmem>> -> memref<8x1024xf32, #tpu.memory_space<vmem>>
        %dma_start3A_746 = tpu.memref_slice %arg9[%mul3A_741] : memref<1024xi32, #tpu.memory_space<vmem>> -> memref<8xi32, #tpu.memory_space<vmem>>
        %dma_start3A_747 = arith.constant 0 : i32
        %dma_start3A_748 = arith.constant 0 : i32
        %dma_start3A_749 = tpu.memref_slice %arg5[%dma_start3A_747, %dma_start3A_748] : memref<1000x1024xf32, #tpu.memory_space<hbm>> -> memref<1000x1024xf32, #tpu.memory_space<hbm>>
        %dma_start3A_750 = tpu.memref_slice %arg16[%scan3A_170] : memref<8x!tpu.dma_semaphore, #tpu.memory_space<semaphore_mem>> -> memref<1x!tpu.dma_semaphore, #tpu.memory_space<semaphore_mem>>
        %dma_start3A_751 = tpu.memref_squeeze %dma_start3A_750 : memref<1x!tpu.dma_semaphore, #tpu.memory_space<semaphore_mem>> -> memref<!tpu.dma_semaphore, #tpu.memory_space<semaphore_mem>>
        tpu.enqueue_indirect_dma source(%dma_start3A_749 : memref<1000x1024xf32, #tpu.memory_space<hbm>>) target(%dma_start3A_745 : memref<8x1024xf32, #tpu.memory_space<vmem>>) offsets(%dma_start3A_746 : memref<8xi32, #tpu.memory_space<vmem>>) semaphore(%dma_start3A_751 : memref<!tpu.dma_semaphore, #tpu.memory_space<semaphore_mem>>)
      } else {
      }
      %mul3A_554 = arith.constant 8 : i32
      %mul3A_555 = arith.muli %scan3A_388, %mul3A_554 : i32
      %add3A_556 = arith.constant 4 : i32
      %add3A_557 = arith.addi %mul3A_555, %add3A_556 : i32
      %dma_wait3A_558 = arith.constant 0 : i32
      %dma_wait3A_559 = arith.constant 0 : i32
      %dma_wait3A_560 = tpu.memref_slice %arg12[%scan3A_172, %dma_wait3A_558, %dma_wait3A_559] : memref<8x8x1024xf32, #tpu.memory_space<vmem>> -> memref<1x8x1024xf32, #tpu.memory_space<vmem>>
      %dma_wait3A_561 = tpu.memref_squeeze %dma_wait3A_560 : memref<1x8x1024xf32, #tpu.memory_space<vmem>> -> memref<8x1024xf32, #tpu.memory_space<vmem>>
      %dma_wait3A_562 = arith.constant 0 : i32
      %dma_wait3A_563 = arith.constant 0 : i32
      %dma_wait3A_564 = tpu.memref_slice %arg5[%dma_wait3A_562, %dma_wait3A_563] : memref<1000x1024xf32, #tpu.memory_space<hbm>> -> memref<8x1024xf32, #tpu.memory_space<hbm>>
      %dma_wait3A_565 = tpu.memref_slice %arg16[%scan3A_173] : memref<8x!tpu.dma_semaphore, #tpu.memory_space<semaphore_mem>> -> memref<1x!tpu.dma_semaphore, #tpu.memory_space<semaphore_mem>>
      %dma_wait3A_566 = tpu.memref_squeeze %dma_wait3A_565 : memref<1x!tpu.dma_semaphore, #tpu.memory_space<semaphore_mem>> -> memref<!tpu.dma_semaphore, #tpu.memory_space<semaphore_mem>>
      %dma_wait3A_567 = arith.constant 0 : i32
      %dma_wait3A_568 = arith.constant 0 : i32
      %dma_wait3A_569 = tpu.memref_slice %arg12[%scan3A_172, %dma_wait3A_567, %dma_wait3A_568] : memref<8x8x1024xf32, #tpu.memory_space<vmem>> -> memref<1x8x1024xf32, #tpu.memory_space<vmem>>
      %dma_wait3A_570 = tpu.memref_squeeze %dma_wait3A_569 : memref<1x8x1024xf32, #tpu.memory_space<vmem>> -> memref<8x1024xf32, #tpu.memory_space<vmem>>
      %dma_wait3A_571 = arith.constant 0 : i32
      %dma_wait3A_572 = arith.constant 0 : i32
      %dma_wait3A_573 = tpu.memref_slice %arg5[%dma_wait3A_571, %dma_wait3A_572] : memref<1000x1024xf32, #tpu.memory_space<hbm>> -> memref<8x1024xf32, #tpu.memory_space<hbm>>
      tpu.wait_dma2 semaphore(%dma_wait3A_566 : memref<!tpu.dma_semaphore, #tpu.memory_space<semaphore_mem>>) src(%dma_wait3A_573 : memref<8x1024xf32, #tpu.memory_space<hbm>>) dst(%dma_wait3A_570 : memref<8x1024xf32, #tpu.memory_space<vmem>>)
      %mul3A_574 = arith.constant 8 : i32
      %mul3A_575 = arith.muli %add3A_557, %mul3A_574 : i32
      %add3A_576 = arith.addi %mul3A_2, %mul3A_575 : i32
      %dma_start3A_577 = arith.constant 0 : i32
      %dma_start3A_578 = arith.constant 0 : i32
      %dma_start3A_579 = tpu.memref_slice %arg12[%scan3A_172, %dma_start3A_577, %dma_start3A_578] : memref<8x8x1024xf32, #tpu.memory_space<vmem>> -> memref<1x8x1024xf32, #tpu.memory_space<vmem>>
      %dma_start3A_580 = tpu.memref_squeeze %dma_start3A_579 : memref<1x8x1024xf32, #tpu.memory_space<vmem>> -> memref<8x1024xf32, #tpu.memory_space<vmem>>
      %dma_start3A_581 = arith.constant 0 : i32
      %dma_start3A_582 = tpu.memref_slice %arg7[%add3A_576, %dma_start3A_581] : memref<32768x1024xf32, #tpu.memory_space<hbm>> -> memref<8x1024xf32, #tpu.memory_space<hbm>>
      %dma_start3A_583 = tpu.memref_slice %arg17[%scan3A_174] : memref<8x!tpu.dma_semaphore, #tpu.memory_space<semaphore_mem>> -> memref<1x!tpu.dma_semaphore, #tpu.memory_space<semaphore_mem>>
      %dma_start3A_584 = tpu.memref_squeeze %dma_start3A_583 : memref<1x!tpu.dma_semaphore, #tpu.memory_space<semaphore_mem>> -> memref<!tpu.dma_semaphore, #tpu.memory_space<semaphore_mem>>
      %dma_start3A_585 = arith.constant 0 : i32
      %dma_start3A_586 = tpu.memref_slice %arg7[%add3A_576, %dma_start3A_585] : memref<32768x1024xf32, #tpu.memory_space<hbm>> -> memref<8x1024xf32, #tpu.memory_space<hbm>>
      %dma_start3A_587 = arith.constant 0 : i32
      %dma_start3A_588 = arith.constant 0 : i32
      %dma_start3A_589 = tpu.memref_slice %arg12[%scan3A_172, %dma_start3A_587, %dma_start3A_588] : memref<8x8x1024xf32, #tpu.memory_space<vmem>> -> memref<1x8x1024xf32, #tpu.memory_space<vmem>>
      %dma_start3A_590 = tpu.memref_squeeze %dma_start3A_589 : memref<1x8x1024xf32, #tpu.memory_space<vmem>> -> memref<8x1024xf32, #tpu.memory_space<vmem>>
      tpu.enqueue_dma source(%dma_start3A_590 : memref<8x1024xf32, #tpu.memory_space<vmem>>) target(%dma_start3A_586 : memref<8x1024xf32, #tpu.memory_space<hbm>>) target_semaphore(%dma_start3A_584 : memref<!tpu.dma_semaphore, #tpu.memory_space<semaphore_mem>>)
      %lt3A_591 = arith.constant 15 : i32
      %lt3A_592 = arith.cmpi slt, %scan3A_388, %lt3A_591 : i32
      %convert_element_type3A_593 = arith.extui %lt3A_592 : i1 to i32
      %cond3A_594 = arith.constant 0 : i32
      %cond3A_595 = arith.cmpi ne, %convert_element_type3A_593, %cond3A_594 : i32
      scf.if %cond3A_595 {
        %dma_wait3A_722 = arith.constant 0 : i32
        %dma_wait3A_723 = arith.constant 0 : i32
        %dma_wait3A_724 = tpu.memref_slice %arg12[%scan3A_172, %dma_wait3A_722, %dma_wait3A_723] : memref<8x8x1024xf32, #tpu.memory_space<vmem>> -> memref<1x8x1024xf32, #tpu.memory_space<vmem>>
        %dma_wait3A_725 = tpu.memref_squeeze %dma_wait3A_724 : memref<1x8x1024xf32, #tpu.memory_space<vmem>> -> memref<8x1024xf32, #tpu.memory_space<vmem>>
        %dma_wait3A_726 = arith.constant 0 : i32
        %dma_wait3A_727 = arith.constant 0 : i32
        %dma_wait3A_728 = tpu.memref_slice %arg7[%dma_wait3A_726, %dma_wait3A_727] : memref<32768x1024xf32, #tpu.memory_space<hbm>> -> memref<8x1024xf32, #tpu.memory_space<hbm>>
        %dma_wait3A_729 = tpu.memref_slice %arg17[%scan3A_174] : memref<8x!tpu.dma_semaphore, #tpu.memory_space<semaphore_mem>> -> memref<1x!tpu.dma_semaphore, #tpu.memory_space<semaphore_mem>>
        %dma_wait3A_730 = tpu.memref_squeeze %dma_wait3A_729 : memref<1x!tpu.dma_semaphore, #tpu.memory_space<semaphore_mem>> -> memref<!tpu.dma_semaphore, #tpu.memory_space<semaphore_mem>>
        %dma_wait3A_731 = arith.constant 0 : i32
        %dma_wait3A_732 = arith.constant 0 : i32
        %dma_wait3A_733 = tpu.memref_slice %arg7[%dma_wait3A_731, %dma_wait3A_732] : memref<32768x1024xf32, #tpu.memory_space<hbm>> -> memref<8x1024xf32, #tpu.memory_space<hbm>>
        %dma_wait3A_734 = arith.constant 0 : i32
        %dma_wait3A_735 = arith.constant 0 : i32
        %dma_wait3A_736 = tpu.memref_slice %arg12[%scan3A_172, %dma_wait3A_734, %dma_wait3A_735] : memref<8x8x1024xf32, #tpu.memory_space<vmem>> -> memref<1x8x1024xf32, #tpu.memory_space<vmem>>
        %dma_wait3A_737 = tpu.memref_squeeze %dma_wait3A_736 : memref<1x8x1024xf32, #tpu.memory_space<vmem>> -> memref<8x1024xf32, #tpu.memory_space<vmem>>
        tpu.wait_dma2 semaphore(%dma_wait3A_730 : memref<!tpu.dma_semaphore, #tpu.memory_space<semaphore_mem>>) src(%dma_wait3A_737 : memref<8x1024xf32, #tpu.memory_space<vmem>>) dst(%dma_wait3A_733 : memref<8x1024xf32, #tpu.memory_space<hbm>>)
        %add3A_738 = arith.constant 8 : i32
        %add3A_739 = arith.addi %add3A_557, %add3A_738 : i32
        %mul3A_740 = arith.constant 8 : i32
        %mul3A_741 = arith.muli %add3A_739, %mul3A_740 : i32
        %dma_start3A_742 = arith.constant 0 : i32
        %dma_start3A_743 = arith.constant 0 : i32
        %dma_start3A_744 = tpu.memref_slice %arg12[%scan3A_172, %dma_start3A_742, %dma_start3A_743] : memref<8x8x1024xf32, #tpu.memory_space<vmem>> -> memref<1x8x1024xf32, #tpu.memory_space<vmem>>
        %dma_start3A_745 = tpu.memref_squeeze %dma_start3A_744 : memref<1x8x1024xf32, #tpu.memory_space<vmem>> -> memref<8x1024xf32, #tpu.memory_space<vmem>>
        %dma_start3A_746 = tpu.memref_slice %arg9[%mul3A_741] : memref<1024xi32, #tpu.memory_space<vmem>> -> memref<8xi32, #tpu.memory_space<vmem>>
        %dma_start3A_747 = arith.constant 0 : i32
        %dma_start3A_748 = arith.constant 0 : i32
        %dma_start3A_749 = tpu.memref_slice %arg5[%dma_start3A_747, %dma_start3A_748] : memref<1000x1024xf32, #tpu.memory_space<hbm>> -> memref<1000x1024xf32, #tpu.memory_space<hbm>>
        %dma_start3A_750 = tpu.memref_slice %arg16[%scan3A_173] : memref<8x!tpu.dma_semaphore, #tpu.memory_space<semaphore_mem>> -> memref<1x!tpu.dma_semaphore, #tpu.memory_space<semaphore_mem>>
        %dma_start3A_751 = tpu.memref_squeeze %dma_start3A_750 : memref<1x!tpu.dma_semaphore, #tpu.memory_space<semaphore_mem>> -> memref<!tpu.dma_semaphore, #tpu.memory_space<semaphore_mem>>
        tpu.enqueue_indirect_dma source(%dma_start3A_749 : memref<1000x1024xf32, #tpu.memory_space<hbm>>) target(%dma_start3A_745 : memref<8x1024xf32, #tpu.memory_space<vmem>>) offsets(%dma_start3A_746 : memref<8xi32, #tpu.memory_space<vmem>>) semaphore(%dma_start3A_751 : memref<!tpu.dma_semaphore, #tpu.memory_space<semaphore_mem>>)
      } else {
      }
      %mul3A_596 = arith.constant 8 : i32
      %mul3A_597 = arith.muli %scan3A_388, %mul3A_596 : i32
      %add3A_598 = arith.constant 5 : i32
      %add3A_599 = arith.addi %mul3A_597, %add3A_598 : i32
      %dma_wait3A_600 = arith.constant 0 : i32
      %dma_wait3A_601 = arith.constant 0 : i32
      %dma_wait3A_602 = tpu.memref_slice %arg12[%scan3A_175, %dma_wait3A_600, %dma_wait3A_601] : memref<8x8x1024xf32, #tpu.memory_space<vmem>> -> memref<1x8x1024xf32, #tpu.memory_space<vmem>>
      %dma_wait3A_603 = tpu.memref_squeeze %dma_wait3A_602 : memref<1x8x1024xf32, #tpu.memory_space<vmem>> -> memref<8x1024xf32, #tpu.memory_space<vmem>>
      %dma_wait3A_604 = arith.constant 0 : i32
      %dma_wait3A_605 = arith.constant 0 : i32
      %dma_wait3A_606 = tpu.memref_slice %arg5[%dma_wait3A_604, %dma_wait3A_605] : memref<1000x1024xf32, #tpu.memory_space<hbm>> -> memref<8x1024xf32, #tpu.memory_space<hbm>>
      %dma_wait3A_607 = tpu.memref_slice %arg16[%scan3A_176] : memref<8x!tpu.dma_semaphore, #tpu.memory_space<semaphore_mem>> -> memref<1x!tpu.dma_semaphore, #tpu.memory_space<semaphore_mem>>
      %dma_wait3A_608 = tpu.memref_squeeze %dma_wait3A_607 : memref<1x!tpu.dma_semaphore, #tpu.memory_space<semaphore_mem>> -> memref<!tpu.dma_semaphore, #tpu.memory_space<semaphore_mem>>
      %dma_wait3A_609 = arith.constant 0 : i32
      %dma_wait3A_610 = arith.constant 0 : i32
      %dma_wait3A_611 = tpu.memref_slice %arg12[%scan3A_175, %dma_wait3A_609, %dma_wait3A_610] : memref<8x8x1024xf32, #tpu.memory_space<vmem>> -> memref<1x8x1024xf32, #tpu.memory_space<vmem>>
      %dma_wait3A_612 = tpu.memref_squeeze %dma_wait3A_611 : memref<1x8x1024xf32, #tpu.memory_space<vmem>> -> memref<8x1024xf32, #tpu.memory_space<vmem>>
      %dma_wait3A_613 = arith.constant 0 : i32
      %dma_wait3A_614 = arith.constant 0 : i32
      %dma_wait3A_615 = tpu.memref_slice %arg5[%dma_wait3A_613, %dma_wait3A_614] : memref<1000x1024xf32, #tpu.memory_space<hbm>> -> memref<8x1024xf32, #tpu.memory_space<hbm>>
      tpu.wait_dma2 semaphore(%dma_wait3A_608 : memref<!tpu.dma_semaphore, #tpu.memory_space<semaphore_mem>>) src(%dma_wait3A_615 : memref<8x1024xf32, #tpu.memory_space<hbm>>) dst(%dma_wait3A_612 : memref<8x1024xf32, #tpu.memory_space<vmem>>)
      %mul3A_616 = arith.constant 8 : i32
      %mul3A_617 = arith.muli %add3A_599, %mul3A_616 : i32
      %add3A_618 = arith.addi %mul3A_2, %mul3A_617 : i32
      %dma_start3A_619 = arith.constant 0 : i32
      %dma_start3A_620 = arith.constant 0 : i32
      %dma_start3A_621 = tpu.memref_slice %arg12[%scan3A_175, %dma_start3A_619, %dma_start3A_620] : memref<8x8x1024xf32, #tpu.memory_space<vmem>> -> memref<1x8x1024xf32, #tpu.memory_space<vmem>>
      %dma_start3A_622 = tpu.memref_squeeze %dma_start3A_621 : memref<1x8x1024xf32, #tpu.memory_space<vmem>> -> memref<8x1024xf32, #tpu.memory_space<vmem>>
      %dma_start3A_623 = arith.constant 0 : i32
      %dma_start3A_624 = tpu.memref_slice %arg7[%add3A_618, %dma_start3A_623] : memref<32768x1024xf32, #tpu.memory_space<hbm>> -> memref<8x1024xf32, #tpu.memory_space<hbm>>
      %dma_start3A_625 = tpu.memref_slice %arg17[%scan3A_177] : memref<8x!tpu.dma_semaphore, #tpu.memory_space<semaphore_mem>> -> memref<1x!tpu.dma_semaphore, #tpu.memory_space<semaphore_mem>>
      %dma_start3A_626 = tpu.memref_squeeze %dma_start3A_625 : memref<1x!tpu.dma_semaphore, #tpu.memory_space<semaphore_mem>> -> memref<!tpu.dma_semaphore, #tpu.memory_space<semaphore_mem>>
      %dma_start3A_627 = arith.constant 0 : i32
      %dma_start3A_628 = tpu.memref_slice %arg7[%add3A_618, %dma_start3A_627] : memref<32768x1024xf32, #tpu.memory_space<hbm>> -> memref<8x1024xf32, #tpu.memory_space<hbm>>
      %dma_start3A_629 = arith.constant 0 : i32
      %dma_start3A_630 = arith.constant 0 : i32
      %dma_start3A_631 = tpu.memref_slice %arg12[%scan3A_175, %dma_start3A_629, %dma_start3A_630] : memref<8x8x1024xf32, #tpu.memory_space<vmem>> -> memref<1x8x1024xf32, #tpu.memory_space<vmem>>
      %dma_start3A_632 = tpu.memref_squeeze %dma_start3A_631 : memref<1x8x1024xf32, #tpu.memory_space<vmem>> -> memref<8x1024xf32, #tpu.memory_space<vmem>>
      tpu.enqueue_dma source(%dma_start3A_632 : memref<8x1024xf32, #tpu.memory_space<vmem>>) target(%dma_start3A_628 : memref<8x1024xf32, #tpu.memory_space<hbm>>) target_semaphore(%dma_start3A_626 : memref<!tpu.dma_semaphore, #tpu.memory_space<semaphore_mem>>)
      %lt3A_633 = arith.constant 15 : i32
      %lt3A_634 = arith.cmpi slt, %scan3A_388, %lt3A_633 : i32
      %convert_element_type3A_635 = arith.extui %lt3A_634 : i1 to i32
      %cond3A_636 = arith.constant 0 : i32
      %cond3A_637 = arith.cmpi ne, %convert_element_type3A_635, %cond3A_636 : i32
      scf.if %cond3A_637 {
        %dma_wait3A_722 = arith.constant 0 : i32
        %dma_wait3A_723 = arith.constant 0 : i32
        %dma_wait3A_724 = tpu.memref_slice %arg12[%scan3A_175, %dma_wait3A_722, %dma_wait3A_723] : memref<8x8x1024xf32, #tpu.memory_space<vmem>> -> memref<1x8x1024xf32, #tpu.memory_space<vmem>>
        %dma_wait3A_725 = tpu.memref_squeeze %dma_wait3A_724 : memref<1x8x1024xf32, #tpu.memory_space<vmem>> -> memref<8x1024xf32, #tpu.memory_space<vmem>>
        %dma_wait3A_726 = arith.constant 0 : i32
        %dma_wait3A_727 = arith.constant 0 : i32
        %dma_wait3A_728 = tpu.memref_slice %arg7[%dma_wait3A_726, %dma_wait3A_727] : memref<32768x1024xf32, #tpu.memory_space<hbm>> -> memref<8x1024xf32, #tpu.memory_space<hbm>>
        %dma_wait3A_729 = tpu.memref_slice %arg17[%scan3A_177] : memref<8x!tpu.dma_semaphore, #tpu.memory_space<semaphore_mem>> -> memref<1x!tpu.dma_semaphore, #tpu.memory_space<semaphore_mem>>
        %dma_wait3A_730 = tpu.memref_squeeze %dma_wait3A_729 : memref<1x!tpu.dma_semaphore, #tpu.memory_space<semaphore_mem>> -> memref<!tpu.dma_semaphore, #tpu.memory_space<semaphore_mem>>
        %dma_wait3A_731 = arith.constant 0 : i32
        %dma_wait3A_732 = arith.constant 0 : i32
        %dma_wait3A_733 = tpu.memref_slice %arg7[%dma_wait3A_731, %dma_wait3A_732] : memref<32768x1024xf32, #tpu.memory_space<hbm>> -> memref<8x1024xf32, #tpu.memory_space<hbm>>
        %dma_wait3A_734 = arith.constant 0 : i32
        %dma_wait3A_735 = arith.constant 0 : i32
        %dma_wait3A_736 = tpu.memref_slice %arg12[%scan3A_175, %dma_wait3A_734, %dma_wait3A_735] : memref<8x8x1024xf32, #tpu.memory_space<vmem>> -> memref<1x8x1024xf32, #tpu.memory_space<vmem>>
        %dma_wait3A_737 = tpu.memref_squeeze %dma_wait3A_736 : memref<1x8x1024xf32, #tpu.memory_space<vmem>> -> memref<8x1024xf32, #tpu.memory_space<vmem>>
        tpu.wait_dma2 semaphore(%dma_wait3A_730 : memref<!tpu.dma_semaphore, #tpu.memory_space<semaphore_mem>>) src(%dma_wait3A_737 : memref<8x1024xf32, #tpu.memory_space<vmem>>) dst(%dma_wait3A_733 : memref<8x1024xf32, #tpu.memory_space<hbm>>)
        %add3A_738 = arith.constant 8 : i32
        %add3A_739 = arith.addi %add3A_599, %add3A_738 : i32
        %mul3A_740 = arith.constant 8 : i32
        %mul3A_741 = arith.muli %add3A_739, %mul3A_740 : i32
        %dma_start3A_742 = arith.constant 0 : i32
        %dma_start3A_743 = arith.constant 0 : i32
        %dma_start3A_744 = tpu.memref_slice %arg12[%scan3A_175, %dma_start3A_742, %dma_start3A_743] : memref<8x8x1024xf32, #tpu.memory_space<vmem>> -> memref<1x8x1024xf32, #tpu.memory_space<vmem>>
        %dma_start3A_745 = tpu.memref_squeeze %dma_start3A_744 : memref<1x8x1024xf32, #tpu.memory_space<vmem>> -> memref<8x1024xf32, #tpu.memory_space<vmem>>
        %dma_start3A_746 = tpu.memref_slice %arg9[%mul3A_741] : memref<1024xi32, #tpu.memory_space<vmem>> -> memref<8xi32, #tpu.memory_space<vmem>>
        %dma_start3A_747 = arith.constant 0 : i32
        %dma_start3A_748 = arith.constant 0 : i32
        %dma_start3A_749 = tpu.memref_slice %arg5[%dma_start3A_747, %dma_start3A_748] : memref<1000x1024xf32, #tpu.memory_space<hbm>> -> memref<1000x1024xf32, #tpu.memory_space<hbm>>
        %dma_start3A_750 = tpu.memref_slice %arg16[%scan3A_176] : memref<8x!tpu.dma_semaphore, #tpu.memory_space<semaphore_mem>> -> memref<1x!tpu.dma_semaphore, #tpu.memory_space<semaphore_mem>>
        %dma_start3A_751 = tpu.memref_squeeze %dma_start3A_750 : memref<1x!tpu.dma_semaphore, #tpu.memory_space<semaphore_mem>> -> memref<!tpu.dma_semaphore, #tpu.memory_space<semaphore_mem>>
        tpu.enqueue_indirect_dma source(%dma_start3A_749 : memref<1000x1024xf32, #tpu.memory_space<hbm>>) target(%dma_start3A_745 : memref<8x1024xf32, #tpu.memory_space<vmem>>) offsets(%dma_start3A_746 : memref<8xi32, #tpu.memory_space<vmem>>) semaphore(%dma_start3A_751 : memref<!tpu.dma_semaphore, #tpu.memory_space<semaphore_mem>>)
      } else {
      }
      %mul3A_638 = arith.constant 8 : i32
      %mul3A_639 = arith.muli %scan3A_388, %mul3A_638 : i32
      %add3A_640 = arith.constant 6 : i32
      %add3A_641 = arith.addi %mul3A_639, %add3A_640 : i32
      %dma_wait3A_642 = arith.constant 0 : i32
      %dma_wait3A_643 = arith.constant 0 : i32
      %dma_wait3A_644 = tpu.memref_slice %arg12[%scan3A_178, %dma_wait3A_642, %dma_wait3A_643] : memref<8x8x1024xf32, #tpu.memory_space<vmem>> -> memref<1x8x1024xf32, #tpu.memory_space<vmem>>
      %dma_wait3A_645 = tpu.memref_squeeze %dma_wait3A_644 : memref<1x8x1024xf32, #tpu.memory_space<vmem>> -> memref<8x1024xf32, #tpu.memory_space<vmem>>
      %dma_wait3A_646 = arith.constant 0 : i32
      %dma_wait3A_647 = arith.constant 0 : i32
      %dma_wait3A_648 = tpu.memref_slice %arg5[%dma_wait3A_646, %dma_wait3A_647] : memref<1000x1024xf32, #tpu.memory_space<hbm>> -> memref<8x1024xf32, #tpu.memory_space<hbm>>
      %dma_wait3A_649 = tpu.memref_slice %arg16[%scan3A_179] : memref<8x!tpu.dma_semaphore, #tpu.memory_space<semaphore_mem>> -> memref<1x!tpu.dma_semaphore, #tpu.memory_space<semaphore_mem>>
      %dma_wait3A_650 = tpu.memref_squeeze %dma_wait3A_649 : memref<1x!tpu.dma_semaphore, #tpu.memory_space<semaphore_mem>> -> memref<!tpu.dma_semaphore, #tpu.memory_space<semaphore_mem>>
      %dma_wait3A_651 = arith.constant 0 : i32
      %dma_wait3A_652 = arith.constant 0 : i32
      %dma_wait3A_653 = tpu.memref_slice %arg12[%scan3A_178, %dma_wait3A_651, %dma_wait3A_652] : memref<8x8x1024xf32, #tpu.memory_space<vmem>> -> memref<1x8x1024xf32, #tpu.memory_space<vmem>>
      %dma_wait3A_654 = tpu.memref_squeeze %dma_wait3A_653 : memref<1x8x1024xf32, #tpu.memory_space<vmem>> -> memref<8x1024xf32, #tpu.memory_space<vmem>>
      %dma_wait3A_655 = arith.constant 0 : i32
      %dma_wait3A_656 = arith.constant 0 : i32
      %dma_wait3A_657 = tpu.memref_slice %arg5[%dma_wait3A_655, %dma_wait3A_656] : memref<1000x1024xf32, #tpu.memory_space<hbm>> -> memref<8x1024xf32, #tpu.memory_space<hbm>>
      tpu.wait_dma2 semaphore(%dma_wait3A_650 : memref<!tpu.dma_semaphore, #tpu.memory_space<semaphore_mem>>) src(%dma_wait3A_657 : memref<8x1024xf32, #tpu.memory_space<hbm>>) dst(%dma_wait3A_654 : memref<8x1024xf32, #tpu.memory_space<vmem>>)
      %mul3A_658 = arith.constant 8 : i32
      %mul3A_659 = arith.muli %add3A_641, %mul3A_658 : i32
      %add3A_660 = arith.addi %mul3A_2, %mul3A_659 : i32
      %dma_start3A_661 = arith.constant 0 : i32
      %dma_start3A_662 = arith.constant 0 : i32
      %dma_start3A_663 = tpu.memref_slice %arg12[%scan3A_178, %dma_start3A_661, %dma_start3A_662] : memref<8x8x1024xf32, #tpu.memory_space<vmem>> -> memref<1x8x1024xf32, #tpu.memory_space<vmem>>
      %dma_start3A_664 = tpu.memref_squeeze %dma_start3A_663 : memref<1x8x1024xf32, #tpu.memory_space<vmem>> -> memref<8x1024xf32, #tpu.memory_space<vmem>>
      %dma_start3A_665 = arith.constant 0 : i32
      %dma_start3A_666 = tpu.memref_slice %arg7[%add3A_660, %dma_start3A_665] : memref<32768x1024xf32, #tpu.memory_space<hbm>> -> memref<8x1024xf32, #tpu.memory_space<hbm>>
      %dma_start3A_667 = tpu.memref_slice %arg17[%scan3A_180] : memref<8x!tpu.dma_semaphore, #tpu.memory_space<semaphore_mem>> -> memref<1x!tpu.dma_semaphore, #tpu.memory_space<semaphore_mem>>
      %dma_start3A_668 = tpu.memref_squeeze %dma_start3A_667 : memref<1x!tpu.dma_semaphore, #tpu.memory_space<semaphore_mem>> -> memref<!tpu.dma_semaphore, #tpu.memory_space<semaphore_mem>>
      %dma_start3A_669 = arith.constant 0 : i32
      %dma_start3A_670 = tpu.memref_slice %arg7[%add3A_660, %dma_start3A_669] : memref<32768x1024xf32, #tpu.memory_space<hbm>> -> memref<8x1024xf32, #tpu.memory_space<hbm>>
      %dma_start3A_671 = arith.constant 0 : i32
      %dma_start3A_672 = arith.constant 0 : i32
      %dma_start3A_673 = tpu.memref_slice %arg12[%scan3A_178, %dma_start3A_671, %dma_start3A_672] : memref<8x8x1024xf32, #tpu.memory_space<vmem>> -> memref<1x8x1024xf32, #tpu.memory_space<vmem>>
      %dma_start3A_674 = tpu.memref_squeeze %dma_start3A_673 : memref<1x8x1024xf32, #tpu.memory_space<vmem>> -> memref<8x1024xf32, #tpu.memory_space<vmem>>
      tpu.enqueue_dma source(%dma_start3A_674 : memref<8x1024xf32, #tpu.memory_space<vmem>>) target(%dma_start3A_670 : memref<8x1024xf32, #tpu.memory_space<hbm>>) target_semaphore(%dma_start3A_668 : memref<!tpu.dma_semaphore, #tpu.memory_space<semaphore_mem>>)
      %lt3A_675 = arith.constant 15 : i32
      %lt3A_676 = arith.cmpi slt, %scan3A_388, %lt3A_675 : i32
      %convert_element_type3A_677 = arith.extui %lt3A_676 : i1 to i32
      %cond3A_678 = arith.constant 0 : i32
      %cond3A_679 = arith.cmpi ne, %convert_element_type3A_677, %cond3A_678 : i32
      scf.if %cond3A_679 {
        %dma_wait3A_722 = arith.constant 0 : i32
        %dma_wait3A_723 = arith.constant 0 : i32
        %dma_wait3A_724 = tpu.memref_slice %arg12[%scan3A_178, %dma_wait3A_722, %dma_wait3A_723] : memref<8x8x1024xf32, #tpu.memory_space<vmem>> -> memref<1x8x1024xf32, #tpu.memory_space<vmem>>
        %dma_wait3A_725 = tpu.memref_squeeze %dma_wait3A_724 : memref<1x8x1024xf32, #tpu.memory_space<vmem>> -> memref<8x1024xf32, #tpu.memory_space<vmem>>
        %dma_wait3A_726 = arith.constant 0 : i32
        %dma_wait3A_727 = arith.constant 0 : i32
        %dma_wait3A_728 = tpu.memref_slice %arg7[%dma_wait3A_726, %dma_wait3A_727] : memref<32768x1024xf32, #tpu.memory_space<hbm>> -> memref<8x1024xf32, #tpu.memory_space<hbm>>
        %dma_wait3A_729 = tpu.memref_slice %arg17[%scan3A_180] : memref<8x!tpu.dma_semaphore, #tpu.memory_space<semaphore_mem>> -> memref<1x!tpu.dma_semaphore, #tpu.memory_space<semaphore_mem>>
        %dma_wait3A_730 = tpu.memref_squeeze %dma_wait3A_729 : memref<1x!tpu.dma_semaphore, #tpu.memory_space<semaphore_mem>> -> memref<!tpu.dma_semaphore, #tpu.memory_space<semaphore_mem>>
        %dma_wait3A_731 = arith.constant 0 : i32
        %dma_wait3A_732 = arith.constant 0 : i32
        %dma_wait3A_733 = tpu.memref_slice %arg7[%dma_wait3A_731, %dma_wait3A_732] : memref<32768x1024xf32, #tpu.memory_space<hbm>> -> memref<8x1024xf32, #tpu.memory_space<hbm>>
        %dma_wait3A_734 = arith.constant 0 : i32
        %dma_wait3A_735 = arith.constant 0 : i32
        %dma_wait3A_736 = tpu.memref_slice %arg12[%scan3A_178, %dma_wait3A_734, %dma_wait3A_735] : memref<8x8x1024xf32, #tpu.memory_space<vmem>> -> memref<1x8x1024xf32, #tpu.memory_space<vmem>>
        %dma_wait3A_737 = tpu.memref_squeeze %dma_wait3A_736 : memref<1x8x1024xf32, #tpu.memory_space<vmem>> -> memref<8x1024xf32, #tpu.memory_space<vmem>>
        tpu.wait_dma2 semaphore(%dma_wait3A_730 : memref<!tpu.dma_semaphore, #tpu.memory_space<semaphore_mem>>) src(%dma_wait3A_737 : memref<8x1024xf32, #tpu.memory_space<vmem>>) dst(%dma_wait3A_733 : memref<8x1024xf32, #tpu.memory_space<hbm>>)
        %add3A_738 = arith.constant 8 : i32
        %add3A_739 = arith.addi %add3A_641, %add3A_738 : i32
        %mul3A_740 = arith.constant 8 : i32
        %mul3A_741 = arith.muli %add3A_739, %mul3A_740 : i32
        %dma_start3A_742 = arith.constant 0 : i32
        %dma_start3A_743 = arith.constant 0 : i32
        %dma_start3A_744 = tpu.memref_slice %arg12[%scan3A_178, %dma_start3A_742, %dma_start3A_743] : memref<8x8x1024xf32, #tpu.memory_space<vmem>> -> memref<1x8x1024xf32, #tpu.memory_space<vmem>>
        %dma_start3A_745 = tpu.memref_squeeze %dma_start3A_744 : memref<1x8x1024xf32, #tpu.memory_space<vmem>> -> memref<8x1024xf32, #tpu.memory_space<vmem>>
        %dma_start3A_746 = tpu.memref_slice %arg9[%mul3A_741] : memref<1024xi32, #tpu.memory_space<vmem>> -> memref<8xi32, #tpu.memory_space<vmem>>
        %dma_start3A_747 = arith.constant 0 : i32
        %dma_start3A_748 = arith.constant 0 : i32
        %dma_start3A_749 = tpu.memref_slice %arg5[%dma_start3A_747, %dma_start3A_748] : memref<1000x1024xf32, #tpu.memory_space<hbm>> -> memref<1000x1024xf32, #tpu.memory_space<hbm>>
        %dma_start3A_750 = tpu.memref_slice %arg16[%scan3A_179] : memref<8x!tpu.dma_semaphore, #tpu.memory_space<semaphore_mem>> -> memref<1x!tpu.dma_semaphore, #tpu.memory_space<semaphore_mem>>
        %dma_start3A_751 = tpu.memref_squeeze %dma_start3A_750 : memref<1x!tpu.dma_semaphore, #tpu.memory_space<semaphore_mem>> -> memref<!tpu.dma_semaphore, #tpu.memory_space<semaphore_mem>>
        tpu.enqueue_indirect_dma source(%dma_start3A_749 : memref<1000x1024xf32, #tpu.memory_space<hbm>>) target(%dma_start3A_745 : memref<8x1024xf32, #tpu.memory_space<vmem>>) offsets(%dma_start3A_746 : memref<8xi32, #tpu.memory_space<vmem>>) semaphore(%dma_start3A_751 : memref<!tpu.dma_semaphore, #tpu.memory_space<semaphore_mem>>)
      } else {
      }
      %mul3A_680 = arith.constant 8 : i32
      %mul3A_681 = arith.muli %scan3A_388, %mul3A_680 : i32
      %add3A_682 = arith.constant 7 : i32
      %add3A_683 = arith.addi %mul3A_681, %add3A_682 : i32
      %dma_wait3A_684 = arith.constant 0 : i32
      %dma_wait3A_685 = arith.constant 0 : i32
      %dma_wait3A_686 = tpu.memref_slice %arg12[%scan3A_181, %dma_wait3A_684, %dma_wait3A_685] : memref<8x8x1024xf32, #tpu.memory_space<vmem>> -> memref<1x8x1024xf32, #tpu.memory_space<vmem>>
      %dma_wait3A_687 = tpu.memref_squeeze %dma_wait3A_686 : memref<1x8x1024xf32, #tpu.memory_space<vmem>> -> memref<8x1024xf32, #tpu.memory_space<vmem>>
      %dma_wait3A_688 = arith.constant 0 : i32
      %dma_wait3A_689 = arith.constant 0 : i32
      %dma_wait3A_690 = tpu.memref_slice %arg5[%dma_wait3A_688, %dma_wait3A_689] : memref<1000x1024xf32, #tpu.memory_space<hbm>> -> memref<8x1024xf32, #tpu.memory_space<hbm>>
      %dma_wait3A_691 = tpu.memref_slice %arg16[%scan3A_182] : memref<8x!tpu.dma_semaphore, #tpu.memory_space<semaphore_mem>> -> memref<1x!tpu.dma_semaphore, #tpu.memory_space<semaphore_mem>>
      %dma_wait3A_692 = tpu.memref_squeeze %dma_wait3A_691 : memref<1x!tpu.dma_semaphore, #tpu.memory_space<semaphore_mem>> -> memref<!tpu.dma_semaphore, #tpu.memory_space<semaphore_mem>>
      %dma_wait3A_693 = arith.constant 0 : i32
      %dma_wait3A_694 = arith.constant 0 : i32
      %dma_wait3A_695 = tpu.memref_slice %arg12[%scan3A_181, %dma_wait3A_693, %dma_wait3A_694] : memref<8x8x1024xf32, #tpu.memory_space<vmem>> -> memref<1x8x1024xf32, #tpu.memory_space<vmem>>
      %dma_wait3A_696 = tpu.memref_squeeze %dma_wait3A_695 : memref<1x8x1024xf32, #tpu.memory_space<vmem>> -> memref<8x1024xf32, #tpu.memory_space<vmem>>
      %dma_wait3A_697 = arith.constant 0 : i32
      %dma_wait3A_698 = arith.constant 0 : i32
      %dma_wait3A_699 = tpu.memref_slice %arg5[%dma_wait3A_697, %dma_wait3A_698] : memref<1000x1024xf32, #tpu.memory_space<hbm>> -> memref<8x1024xf32, #tpu.memory_space<hbm>>
      tpu.wait_dma2 semaphore(%dma_wait3A_692 : memref<!tpu.dma_semaphore, #tpu.memory_space<semaphore_mem>>) src(%dma_wait3A_699 : memref<8x1024xf32, #tpu.memory_space<hbm>>) dst(%dma_wait3A_696 : memref<8x1024xf32, #tpu.memory_space<vmem>>)
      %mul3A_700 = arith.constant 8 : i32
      %mul3A_701 = arith.muli %add3A_683, %mul3A_700 : i32
      %add3A_702 = arith.addi %mul3A_2, %mul3A_701 : i32
      %dma_start3A_703 = arith.constant 0 : i32
      %dma_start3A_704 = arith.constant 0 : i32
      %dma_start3A_705 = tpu.memref_slice %arg12[%scan3A_181, %dma_start3A_703, %dma_start3A_704] : memref<8x8x1024xf32, #tpu.memory_space<vmem>> -> memref<1x8x1024xf32, #tpu.memory_space<vmem>>
      %dma_start3A_706 = tpu.memref_squeeze %dma_start3A_705 : memref<1x8x1024xf32, #tpu.memory_space<vmem>> -> memref<8x1024xf32, #tpu.memory_space<vmem>>
      %dma_start3A_707 = arith.constant 0 : i32
      %dma_start3A_708 = tpu.memref_slice %arg7[%add3A_702, %dma_start3A_707] : memref<32768x1024xf32, #tpu.memory_space<hbm>> -> memref<8x1024xf32, #tpu.memory_space<hbm>>
      %dma_start3A_709 = tpu.memref_slice %arg17[%scan3A_183] : memref<8x!tpu.dma_semaphore, #tpu.memory_space<semaphore_mem>> -> memref<1x!tpu.dma_semaphore, #tpu.memory_space<semaphore_mem>>
      %dma_start3A_710 = tpu.memref_squeeze %dma_start3A_709 : memref<1x!tpu.dma_semaphore, #tpu.memory_space<semaphore_mem>> -> memref<!tpu.dma_semaphore, #tpu.memory_space<semaphore_mem>>
      %dma_start3A_711 = arith.constant 0 : i32
      %dma_start3A_712 = tpu.memref_slice %arg7[%add3A_702, %dma_start3A_711] : memref<32768x1024xf32, #tpu.memory_space<hbm>> -> memref<8x1024xf32, #tpu.memory_space<hbm>>
      %dma_start3A_713 = arith.constant 0 : i32
      %dma_start3A_714 = arith.constant 0 : i32
      %dma_start3A_715 = tpu.memref_slice %arg12[%scan3A_181, %dma_start3A_713, %dma_start3A_714] : memref<8x8x1024xf32, #tpu.memory_space<vmem>> -> memref<1x8x1024xf32, #tpu.memory_space<vmem>>
      %dma_start3A_716 = tpu.memref_squeeze %dma_start3A_715 : memref<1x8x1024xf32, #tpu.memory_space<vmem>> -> memref<8x1024xf32, #tpu.memory_space<vmem>>
      tpu.enqueue_dma source(%dma_start3A_716 : memref<8x1024xf32, #tpu.memory_space<vmem>>) target(%dma_start3A_712 : memref<8x1024xf32, #tpu.memory_space<hbm>>) target_semaphore(%dma_start3A_710 : memref<!tpu.dma_semaphore, #tpu.memory_space<semaphore_mem>>)
      %lt3A_717 = arith.constant 15 : i32
      %lt3A_718 = arith.cmpi slt, %scan3A_388, %lt3A_717 : i32
      %convert_element_type3A_719 = arith.extui %lt3A_718 : i1 to i32
      %cond3A_720 = arith.constant 0 : i32
      %cond3A_721 = arith.cmpi ne, %convert_element_type3A_719, %cond3A_720 : i32
      scf.if %cond3A_721 {
        %dma_wait3A_722 = arith.constant 0 : i32
        %dma_wait3A_723 = arith.constant 0 : i32
        %dma_wait3A_724 = tpu.memref_slice %arg12[%scan3A_181, %dma_wait3A_722, %dma_wait3A_723] : memref<8x8x1024xf32, #tpu.memory_space<vmem>> -> memref<1x8x1024xf32, #tpu.memory_space<vmem>>
        %dma_wait3A_725 = tpu.memref_squeeze %dma_wait3A_724 : memref<1x8x1024xf32, #tpu.memory_space<vmem>> -> memref<8x1024xf32, #tpu.memory_space<vmem>>
        %dma_wait3A_726 = arith.constant 0 : i32
        %dma_wait3A_727 = arith.constant 0 : i32
        %dma_wait3A_728 = tpu.memref_slice %arg7[%dma_wait3A_726, %dma_wait3A_727] : memref<32768x1024xf32, #tpu.memory_space<hbm>> -> memref<8x1024xf32, #tpu.memory_space<hbm>>
        %dma_wait3A_729 = tpu.memref_slice %arg17[%scan3A_183] : memref<8x!tpu.dma_semaphore, #tpu.memory_space<semaphore_mem>> -> memref<1x!tpu.dma_semaphore, #tpu.memory_space<semaphore_mem>>
        %dma_wait3A_730 = tpu.memref_squeeze %dma_wait3A_729 : memref<1x!tpu.dma_semaphore, #tpu.memory_space<semaphore_mem>> -> memref<!tpu.dma_semaphore, #tpu.memory_space<semaphore_mem>>
        %dma_wait3A_731 = arith.constant 0 : i32
        %dma_wait3A_732 = arith.constant 0 : i32
        %dma_wait3A_733 = tpu.memref_slice %arg7[%dma_wait3A_731, %dma_wait3A_732] : memref<32768x1024xf32, #tpu.memory_space<hbm>> -> memref<8x1024xf32, #tpu.memory_space<hbm>>
        %dma_wait3A_734 = arith.constant 0 : i32
        %dma_wait3A_735 = arith.constant 0 : i32
        %dma_wait3A_736 = tpu.memref_slice %arg12[%scan3A_181, %dma_wait3A_734, %dma_wait3A_735] : memref<8x8x1024xf32, #tpu.memory_space<vmem>> -> memref<1x8x1024xf32, #tpu.memory_space<vmem>>
        %dma_wait3A_737 = tpu.memref_squeeze %dma_wait3A_736 : memref<1x8x1024xf32, #tpu.memory_space<vmem>> -> memref<8x1024xf32, #tpu.memory_space<vmem>>
        tpu.wait_dma2 semaphore(%dma_wait3A_730 : memref<!tpu.dma_semaphore, #tpu.memory_space<semaphore_mem>>) src(%dma_wait3A_737 : memref<8x1024xf32, #tpu.memory_space<vmem>>) dst(%dma_wait3A_733 : memref<8x1024xf32, #tpu.memory_space<hbm>>)
        %add3A_738 = arith.constant 8 : i32
        %add3A_739 = arith.addi %add3A_683, %add3A_738 : i32
        %mul3A_740 = arith.constant 8 : i32
        %mul3A_741 = arith.muli %add3A_739, %mul3A_740 : i32
        %dma_start3A_742 = arith.constant 0 : i32
        %dma_start3A_743 = arith.constant 0 : i32
        %dma_start3A_744 = tpu.memref_slice %arg12[%scan3A_181, %dma_start3A_742, %dma_start3A_743] : memref<8x8x1024xf32, #tpu.memory_space<vmem>> -> memref<1x8x1024xf32, #tpu.memory_space<vmem>>
        %dma_start3A_745 = tpu.memref_squeeze %dma_start3A_744 : memref<1x8x1024xf32, #tpu.memory_space<vmem>> -> memref<8x1024xf32, #tpu.memory_space<vmem>>
        %dma_start3A_746 = tpu.memref_slice %arg9[%mul3A_741] : memref<1024xi32, #tpu.memory_space<vmem>> -> memref<8xi32, #tpu.memory_space<vmem>>
        %dma_start3A_747 = arith.constant 0 : i32
        %dma_start3A_748 = arith.constant 0 : i32
        %dma_start3A_749 = tpu.memref_slice %arg5[%dma_start3A_747, %dma_start3A_748] : memref<1000x1024xf32, #tpu.memory_space<hbm>> -> memref<1000x1024xf32, #tpu.memory_space<hbm>>
        %dma_start3A_750 = tpu.memref_slice %arg16[%scan3A_182] : memref<8x!tpu.dma_semaphore, #tpu.memory_space<semaphore_mem>> -> memref<1x!tpu.dma_semaphore, #tpu.memory_space<semaphore_mem>>
        %dma_start3A_751 = tpu.memref_squeeze %dma_start3A_750 : memref<1x!tpu.dma_semaphore, #tpu.memory_space<semaphore_mem>> -> memref<!tpu.dma_semaphore, #tpu.memory_space<semaphore_mem>>
        tpu.enqueue_indirect_dma source(%dma_start3A_749 : memref<1000x1024xf32, #tpu.memory_space<hbm>>) target(%dma_start3A_745 : memref<8x1024xf32, #tpu.memory_space<vmem>>) offsets(%dma_start3A_746 : memref<8xi32, #tpu.memory_space<vmem>>) semaphore(%dma_start3A_751 : memref<!tpu.dma_semaphore, #tpu.memory_space<semaphore_mem>>)
      } else {
      }
    }
    %scan3A_188 = arith.constant 16 : i32
    %dma_wait3A = arith.constant 0 : i32
    %dma_wait3A_189 = arith.constant 0 : i32
    %dma_wait3A_190 = arith.constant 0 : i32
    %dma_wait3A_191 = arith.constant 0 : i32
    %dma_wait3A_192 = tpu.memref_slice %arg12[%dma_wait3A, %dma_wait3A_190, %dma_wait3A_191] : memref<8x8x1024xf32, #tpu.memory_space<vmem>> -> memref<1x8x1024xf32, #tpu.memory_space<vmem>>
    %dma_wait3A_193 = tpu.memref_squeeze %dma_wait3A_192 : memref<1x8x1024xf32, #tpu.memory_space<vmem>> -> memref<8x1024xf32, #tpu.memory_space<vmem>>
    %dma_wait3A_194 = arith.constant 0 : i32
    %dma_wait3A_195 = arith.constant 0 : i32
    %dma_wait3A_196 = tpu.memref_slice %arg7[%dma_wait3A_194, %dma_wait3A_195] : memref<32768x1024xf32, #tpu.memory_space<hbm>> -> memref<8x1024xf32, #tpu.memory_space<hbm>>
    %dma_wait3A_197 = tpu.memref_slice %arg17[%dma_wait3A_189] : memref<8x!tpu.dma_semaphore, #tpu.memory_space<semaphore_mem>> -> memref<1x!tpu.dma_semaphore, #tpu.memory_space<semaphore_mem>>
    %dma_wait3A_198 = tpu.memref_squeeze %dma_wait3A_197 : memref<1x!tpu.dma_semaphore, #tpu.memory_space<semaphore_mem>> -> memref<!tpu.dma_semaphore, #tpu.memory_space<semaphore_mem>>
    %dma_wait3A_199 = arith.constant 0 : i32
    %dma_wait3A_200 = arith.constant 0 : i32
    %dma_wait3A_201 = tpu.memref_slice %arg7[%dma_wait3A_199, %dma_wait3A_200] : memref<32768x1024xf32, #tpu.memory_space<hbm>> -> memref<8x1024xf32, #tpu.memory_space<hbm>>
    %dma_wait3A_202 = arith.constant 0 : i32
    %dma_wait3A_203 = arith.constant 0 : i32
    %dma_wait3A_204 = tpu.memref_slice %arg12[%dma_wait3A, %dma_wait3A_202, %dma_wait3A_203] : memref<8x8x1024xf32, #tpu.memory_space<vmem>> -> memref<1x8x1024xf32, #tpu.memory_space<vmem>>
    %dma_wait3A_205 = tpu.memref_squeeze %dma_wait3A_204 : memref<1x8x1024xf32, #tpu.memory_space<vmem>> -> memref<8x1024xf32, #tpu.memory_space<vmem>>
    tpu.wait_dma2 semaphore(%dma_wait3A_198 : memref<!tpu.dma_semaphore, #tpu.memory_space<semaphore_mem>>) src(%dma_wait3A_205 : memref<8x1024xf32, #tpu.memory_space<vmem>>) dst(%dma_wait3A_201 : memref<8x1024xf32, #tpu.memory_space<hbm>>)
    %dma_wait3A_206 = arith.constant 1 : i32
    %dma_wait3A_207 = arith.constant 1 : i32
    %dma_wait3A_208 = arith.constant 0 : i32
    %dma_wait3A_209 = arith.constant 0 : i32
    %dma_wait3A_210 = tpu.memref_slice %arg12[%dma_wait3A_206, %dma_wait3A_208, %dma_wait3A_209] : memref<8x8x1024xf32, #tpu.memory_space<vmem>> -> memref<1x8x1024xf32, #tpu.memory_space<vmem>>
    %dma_wait3A_211 = tpu.memref_squeeze %dma_wait3A_210 : memref<1x8x1024xf32, #tpu.memory_space<vmem>> -> memref<8x1024xf32, #tpu.memory_space<vmem>>
    %dma_wait3A_212 = arith.constant 0 : i32
    %dma_wait3A_213 = arith.constant 0 : i32
    %dma_wait3A_214 = tpu.memref_slice %arg7[%dma_wait3A_212, %dma_wait3A_213] : memref<32768x1024xf32, #tpu.memory_space<hbm>> -> memref<8x1024xf32, #tpu.memory_space<hbm>>
    %dma_wait3A_215 = tpu.memref_slice %arg17[%dma_wait3A_207] : memref<8x!tpu.dma_semaphore, #tpu.memory_space<semaphore_mem>> -> memref<1x!tpu.dma_semaphore, #tpu.memory_space<semaphore_mem>>
    %dma_wait3A_216 = tpu.memref_squeeze %dma_wait3A_215 : memref<1x!tpu.dma_semaphore, #tpu.memory_space<semaphore_mem>> -> memref<!tpu.dma_semaphore, #tpu.memory_space<semaphore_mem>>
    %dma_wait3A_217 = arith.constant 0 : i32
    %dma_wait3A_218 = arith.constant 0 : i32
    %dma_wait3A_219 = tpu.memref_slice %arg7[%dma_wait3A_217, %dma_wait3A_218] : memref<32768x1024xf32, #tpu.memory_space<hbm>> -> memref<8x1024xf32, #tpu.memory_space<hbm>>
    %dma_wait3A_220 = arith.constant 0 : i32
    %dma_wait3A_221 = arith.constant 0 : i32
    %dma_wait3A_222 = tpu.memref_slice %arg12[%dma_wait3A_206, %dma_wait3A_220, %dma_wait3A_221] : memref<8x8x1024xf32, #tpu.memory_space<vmem>> -> memref<1x8x1024xf32, #tpu.memory_space<vmem>>
    %dma_wait3A_223 = tpu.memref_squeeze %dma_wait3A_222 : memref<1x8x1024xf32, #tpu.memory_space<vmem>> -> memref<8x1024xf32, #tpu.memory_space<vmem>>
    tpu.wait_dma2 semaphore(%dma_wait3A_216 : memref<!tpu.dma_semaphore, #tpu.memory_space<semaphore_mem>>) src(%dma_wait3A_223 : memref<8x1024xf32, #tpu.memory_space<vmem>>) dst(%dma_wait3A_219 : memref<8x1024xf32, #tpu.memory_space<hbm>>)
    %dma_wait3A_224 = arith.constant 2 : i32
    %dma_wait3A_225 = arith.constant 2 : i32
    %dma_wait3A_226 = arith.constant 0 : i32
    %dma_wait3A_227 = arith.constant 0 : i32
    %dma_wait3A_228 = tpu.memref_slice %arg12[%dma_wait3A_224, %dma_wait3A_226, %dma_wait3A_227] : memref<8x8x1024xf32, #tpu.memory_space<vmem>> -> memref<1x8x1024xf32, #tpu.memory_space<vmem>>
    %dma_wait3A_229 = tpu.memref_squeeze %dma_wait3A_228 : memref<1x8x1024xf32, #tpu.memory_space<vmem>> -> memref<8x1024xf32, #tpu.memory_space<vmem>>
    %dma_wait3A_230 = arith.constant 0 : i32
    %dma_wait3A_231 = arith.constant 0 : i32
    %dma_wait3A_232 = tpu.memref_slice %arg7[%dma_wait3A_230, %dma_wait3A_231] : memref<32768x1024xf32, #tpu.memory_space<hbm>> -> memref<8x1024xf32, #tpu.memory_space<hbm>>
    %dma_wait3A_233 = tpu.memref_slice %arg17[%dma_wait3A_225] : memref<8x!tpu.dma_semaphore, #tpu.memory_space<semaphore_mem>> -> memref<1x!tpu.dma_semaphore, #tpu.memory_space<semaphore_mem>>
    %dma_wait3A_234 = tpu.memref_squeeze %dma_wait3A_233 : memref<1x!tpu.dma_semaphore, #tpu.memory_space<semaphore_mem>> -> memref<!tpu.dma_semaphore, #tpu.memory_space<semaphore_mem>>
    %dma_wait3A_235 = arith.constant 0 : i32
    %dma_wait3A_236 = arith.constant 0 : i32
    %dma_wait3A_237 = tpu.memref_slice %arg7[%dma_wait3A_235, %dma_wait3A_236] : memref<32768x1024xf32, #tpu.memory_space<hbm>> -> memref<8x1024xf32, #tpu.memory_space<hbm>>
    %dma_wait3A_238 = arith.constant 0 : i32
    %dma_wait3A_239 = arith.constant 0 : i32
    %dma_wait3A_240 = tpu.memref_slice %arg12[%dma_wait3A_224, %dma_wait3A_238, %dma_wait3A_239] : memref<8x8x1024xf32, #tpu.memory_space<vmem>> -> memref<1x8x1024xf32, #tpu.memory_space<vmem>>
    %dma_wait3A_241 = tpu.memref_squeeze %dma_wait3A_240 : memref<1x8x1024xf32, #tpu.memory_space<vmem>> -> memref<8x1024xf32, #tpu.memory_space<vmem>>
    tpu.wait_dma2 semaphore(%dma_wait3A_234 : memref<!tpu.dma_semaphore, #tpu.memory_space<semaphore_mem>>) src(%dma_wait3A_241 : memref<8x1024xf32, #tpu.memory_space<vmem>>) dst(%dma_wait3A_237 : memref<8x1024xf32, #tpu.memory_space<hbm>>)
    %dma_wait3A_242 = arith.constant 3 : i32
    %dma_wait3A_243 = arith.constant 3 : i32
    %dma_wait3A_244 = arith.constant 0 : i32
    %dma_wait3A_245 = arith.constant 0 : i32
    %dma_wait3A_246 = tpu.memref_slice %arg12[%dma_wait3A_242, %dma_wait3A_244, %dma_wait3A_245] : memref<8x8x1024xf32, #tpu.memory_space<vmem>> -> memref<1x8x1024xf32, #tpu.memory_space<vmem>>
    %dma_wait3A_247 = tpu.memref_squeeze %dma_wait3A_246 : memref<1x8x1024xf32, #tpu.memory_space<vmem>> -> memref<8x1024xf32, #tpu.memory_space<vmem>>
    %dma_wait3A_248 = arith.constant 0 : i32
    %dma_wait3A_249 = arith.constant 0 : i32
    %dma_wait3A_250 = tpu.memref_slice %arg7[%dma_wait3A_248, %dma_wait3A_249] : memref<32768x1024xf32, #tpu.memory_space<hbm>> -> memref<8x1024xf32, #tpu.memory_space<hbm>>
    %dma_wait3A_251 = tpu.memref_slice %arg17[%dma_wait3A_243] : memref<8x!tpu.dma_semaphore, #tpu.memory_space<semaphore_mem>> -> memref<1x!tpu.dma_semaphore, #tpu.memory_space<semaphore_mem>>
    %dma_wait3A_252 = tpu.memref_squeeze %dma_wait3A_251 : memref<1x!tpu.dma_semaphore, #tpu.memory_space<semaphore_mem>> -> memref<!tpu.dma_semaphore, #tpu.memory_space<semaphore_mem>>
    %dma_wait3A_253 = arith.constant 0 : i32
    %dma_wait3A_254 = arith.constant 0 : i32
    %dma_wait3A_255 = tpu.memref_slice %arg7[%dma_wait3A_253, %dma_wait3A_254] : memref<32768x1024xf32, #tpu.memory_space<hbm>> -> memref<8x1024xf32, #tpu.memory_space<hbm>>
    %dma_wait3A_256 = arith.constant 0 : i32
    %dma_wait3A_257 = arith.constant 0 : i32
    %dma_wait3A_258 = tpu.memref_slice %arg12[%dma_wait3A_242, %dma_wait3A_256, %dma_wait3A_257] : memref<8x8x1024xf32, #tpu.memory_space<vmem>> -> memref<1x8x1024xf32, #tpu.memory_space<vmem>>
    %dma_wait3A_259 = tpu.memref_squeeze %dma_wait3A_258 : memref<1x8x1024xf32, #tpu.memory_space<vmem>> -> memref<8x1024xf32, #tpu.memory_space<vmem>>
    tpu.wait_dma2 semaphore(%dma_wait3A_252 : memref<!tpu.dma_semaphore, #tpu.memory_space<semaphore_mem>>) src(%dma_wait3A_259 : memref<8x1024xf32, #tpu.memory_space<vmem>>) dst(%dma_wait3A_255 : memref<8x1024xf32, #tpu.memory_space<hbm>>)
    %dma_wait3A_260 = arith.constant 4 : i32
    %dma_wait3A_261 = arith.constant 4 : i32
    %dma_wait3A_262 = arith.constant 0 : i32
    %dma_wait3A_263 = arith.constant 0 : i32
    %dma_wait3A_264 = tpu.memref_slice %arg12[%dma_wait3A_260, %dma_wait3A_262, %dma_wait3A_263] : memref<8x8x1024xf32, #tpu.memory_space<vmem>> -> memref<1x8x1024xf32, #tpu.memory_space<vmem>>
    %dma_wait3A_265 = tpu.memref_squeeze %dma_wait3A_264 : memref<1x8x1024xf32, #tpu.memory_space<vmem>> -> memref<8x1024xf32, #tpu.memory_space<vmem>>
    %dma_wait3A_266 = arith.constant 0 : i32
    %dma_wait3A_267 = arith.constant 0 : i32
    %dma_wait3A_268 = tpu.memref_slice %arg7[%dma_wait3A_266, %dma_wait3A_267] : memref<32768x1024xf32, #tpu.memory_space<hbm>> -> memref<8x1024xf32, #tpu.memory_space<hbm>>
    %dma_wait3A_269 = tpu.memref_slice %arg17[%dma_wait3A_261] : memref<8x!tpu.dma_semaphore, #tpu.memory_space<semaphore_mem>> -> memref<1x!tpu.dma_semaphore, #tpu.memory_space<semaphore_mem>>
    %dma_wait3A_270 = tpu.memref_squeeze %dma_wait3A_269 : memref<1x!tpu.dma_semaphore, #tpu.memory_space<semaphore_mem>> -> memref<!tpu.dma_semaphore, #tpu.memory_space<semaphore_mem>>
    %dma_wait3A_271 = arith.constant 0 : i32
    %dma_wait3A_272 = arith.constant 0 : i32
    %dma_wait3A_273 = tpu.memref_slice %arg7[%dma_wait3A_271, %dma_wait3A_272] : memref<32768x1024xf32, #tpu.memory_space<hbm>> -> memref<8x1024xf32, #tpu.memory_space<hbm>>
    %dma_wait3A_274 = arith.constant 0 : i32
    %dma_wait3A_275 = arith.constant 0 : i32
    %dma_wait3A_276 = tpu.memref_slice %arg12[%dma_wait3A_260, %dma_wait3A_274, %dma_wait3A_275] : memref<8x8x1024xf32, #tpu.memory_space<vmem>> -> memref<1x8x1024xf32, #tpu.memory_space<vmem>>
    %dma_wait3A_277 = tpu.memref_squeeze %dma_wait3A_276 : memref<1x8x1024xf32, #tpu.memory_space<vmem>> -> memref<8x1024xf32, #tpu.memory_space<vmem>>
    tpu.wait_dma2 semaphore(%dma_wait3A_270 : memref<!tpu.dma_semaphore, #tpu.memory_space<semaphore_mem>>) src(%dma_wait3A_277 : memref<8x1024xf32, #tpu.memory_space<vmem>>) dst(%dma_wait3A_273 : memref<8x1024xf32, #tpu.memory_space<hbm>>)
    %dma_wait3A_278 = arith.constant 5 : i32
    %dma_wait3A_279 = arith.constant 5 : i32
    %dma_wait3A_280 = arith.constant 0 : i32
    %dma_wait3A_281 = arith.constant 0 : i32
    %dma_wait3A_282 = tpu.memref_slice %arg12[%dma_wait3A_278, %dma_wait3A_280, %dma_wait3A_281] : memref<8x8x1024xf32, #tpu.memory_space<vmem>> -> memref<1x8x1024xf32, #tpu.memory_space<vmem>>
    %dma_wait3A_283 = tpu.memref_squeeze %dma_wait3A_282 : memref<1x8x1024xf32, #tpu.memory_space<vmem>> -> memref<8x1024xf32, #tpu.memory_space<vmem>>
    %dma_wait3A_284 = arith.constant 0 : i32
    %dma_wait3A_285 = arith.constant 0 : i32
    %dma_wait3A_286 = tpu.memref_slice %arg7[%dma_wait3A_284, %dma_wait3A_285] : memref<32768x1024xf32, #tpu.memory_space<hbm>> -> memref<8x1024xf32, #tpu.memory_space<hbm>>
    %dma_wait3A_287 = tpu.memref_slice %arg17[%dma_wait3A_279] : memref<8x!tpu.dma_semaphore, #tpu.memory_space<semaphore_mem>> -> memref<1x!tpu.dma_semaphore, #tpu.memory_space<semaphore_mem>>
    %dma_wait3A_288 = tpu.memref_squeeze %dma_wait3A_287 : memref<1x!tpu.dma_semaphore, #tpu.memory_space<semaphore_mem>> -> memref<!tpu.dma_semaphore, #tpu.memory_space<semaphore_mem>>
    %dma_wait3A_289 = arith.constant 0 : i32
    %dma_wait3A_290 = arith.constant 0 : i32
    %dma_wait3A_291 = tpu.memref_slice %arg7[%dma_wait3A_289, %dma_wait3A_290] : memref<32768x1024xf32, #tpu.memory_space<hbm>> -> memref<8x1024xf32, #tpu.memory_space<hbm>>
    %dma_wait3A_292 = arith.constant 0 : i32
    %dma_wait3A_293 = arith.constant 0 : i32
    %dma_wait3A_294 = tpu.memref_slice %arg12[%dma_wait3A_278, %dma_wait3A_292, %dma_wait3A_293] : memref<8x8x1024xf32, #tpu.memory_space<vmem>> -> memref<1x8x1024xf32, #tpu.memory_space<vmem>>
    %dma_wait3A_295 = tpu.memref_squeeze %dma_wait3A_294 : memref<1x8x1024xf32, #tpu.memory_space<vmem>> -> memref<8x1024xf32, #tpu.memory_space<vmem>>
    tpu.wait_dma2 semaphore(%dma_wait3A_288 : memref<!tpu.dma_semaphore, #tpu.memory_space<semaphore_mem>>) src(%dma_wait3A_295 : memref<8x1024xf32, #tpu.memory_space<vmem>>) dst(%dma_wait3A_291 : memref<8x1024xf32, #tpu.memory_space<hbm>>)
    %dma_wait3A_296 = arith.constant 6 : i32
    %dma_wait3A_297 = arith.constant 6 : i32
    %dma_wait3A_298 = arith.constant 0 : i32
    %dma_wait3A_299 = arith.constant 0 : i32
    %dma_wait3A_300 = tpu.memref_slice %arg12[%dma_wait3A_296, %dma_wait3A_298, %dma_wait3A_299] : memref<8x8x1024xf32, #tpu.memory_space<vmem>> -> memref<1x8x1024xf32, #tpu.memory_space<vmem>>
    %dma_wait3A_301 = tpu.memref_squeeze %dma_wait3A_300 : memref<1x8x1024xf32, #tpu.memory_space<vmem>> -> memref<8x1024xf32, #tpu.memory_space<vmem>>
    %dma_wait3A_302 = arith.constant 0 : i32
    %dma_wait3A_303 = arith.constant 0 : i32
    %dma_wait3A_304 = tpu.memref_slice %arg7[%dma_wait3A_302, %dma_wait3A_303] : memref<32768x1024xf32, #tpu.memory_space<hbm>> -> memref<8x1024xf32, #tpu.memory_space<hbm>>
    %dma_wait3A_305 = tpu.memref_slice %arg17[%dma_wait3A_297] : memref<8x!tpu.dma_semaphore, #tpu.memory_space<semaphore_mem>> -> memref<1x!tpu.dma_semaphore, #tpu.memory_space<semaphore_mem>>
    %dma_wait3A_306 = tpu.memref_squeeze %dma_wait3A_305 : memref<1x!tpu.dma_semaphore, #tpu.memory_space<semaphore_mem>> -> memref<!tpu.dma_semaphore, #tpu.memory_space<semaphore_mem>>
    %dma_wait3A_307 = arith.constant 0 : i32
    %dma_wait3A_308 = arith.constant 0 : i32
    %dma_wait3A_309 = tpu.memref_slice %arg7[%dma_wait3A_307, %dma_wait3A_308] : memref<32768x1024xf32, #tpu.memory_space<hbm>> -> memref<8x1024xf32, #tpu.memory_space<hbm>>
    %dma_wait3A_310 = arith.constant 0 : i32
    %dma_wait3A_311 = arith.constant 0 : i32
    %dma_wait3A_312 = tpu.memref_slice %arg12[%dma_wait3A_296, %dma_wait3A_310, %dma_wait3A_311] : memref<8x8x1024xf32, #tpu.memory_space<vmem>> -> memref<1x8x1024xf32, #tpu.memory_space<vmem>>
    %dma_wait3A_313 = tpu.memref_squeeze %dma_wait3A_312 : memref<1x8x1024xf32, #tpu.memory_space<vmem>> -> memref<8x1024xf32, #tpu.memory_space<vmem>>
    tpu.wait_dma2 semaphore(%dma_wait3A_306 : memref<!tpu.dma_semaphore, #tpu.memory_space<semaphore_mem>>) src(%dma_wait3A_313 : memref<8x1024xf32, #tpu.memory_space<vmem>>) dst(%dma_wait3A_309 : memref<8x1024xf32, #tpu.memory_space<hbm>>)
    %dma_wait3A_314 = arith.constant 7 : i32
    %dma_wait3A_315 = arith.constant 7 : i32
    %dma_wait3A_316 = arith.constant 0 : i32
    %dma_wait3A_317 = arith.constant 0 : i32
    %dma_wait3A_318 = tpu.memref_slice %arg12[%dma_wait3A_314, %dma_wait3A_316, %dma_wait3A_317] : memref<8x8x1024xf32, #tpu.memory_space<vmem>> -> memref<1x8x1024xf32, #tpu.memory_space<vmem>>
    %dma_wait3A_319 = tpu.memref_squeeze %dma_wait3A_318 : memref<1x8x1024xf32, #tpu.memory_space<vmem>> -> memref<8x1024xf32, #tpu.memory_space<vmem>>
    %dma_wait3A_320 = arith.constant 0 : i32
    %dma_wait3A_321 = arith.constant 0 : i32
    %dma_wait3A_322 = tpu.memref_slice %arg7[%dma_wait3A_320, %dma_wait3A_321] : memref<32768x1024xf32, #tpu.memory_space<hbm>> -> memref<8x1024xf32, #tpu.memory_space<hbm>>
    %dma_wait3A_323 = tpu.memref_slice %arg17[%dma_wait3A_315] : memref<8x!tpu.dma_semaphore, #tpu.memory_space<semaphore_mem>> -> memref<1x!tpu.dma_semaphore, #tpu.memory_space<semaphore_mem>>
    %dma_wait3A_324 = tpu.memref_squeeze %dma_wait3A_323 : memref<1x!tpu.dma_semaphore, #tpu.memory_space<semaphore_mem>> -> memref<!tpu.dma_semaphore, #tpu.memory_space<semaphore_mem>>
    %dma_wait3A_325 = arith.constant 0 : i32
    %dma_wait3A_326 = arith.constant 0 : i32
    %dma_wait3A_327 = tpu.memref_slice %arg7[%dma_wait3A_325, %dma_wait3A_326] : memref<32768x1024xf32, #tpu.memory_space<hbm>> -> memref<8x1024xf32, #tpu.memory_space<hbm>>
    %dma_wait3A_328 = arith.constant 0 : i32
    %dma_wait3A_329 = arith.constant 0 : i32
    %dma_wait3A_330 = tpu.memref_slice %arg12[%dma_wait3A_314, %dma_wait3A_328, %dma_wait3A_329] : memref<8x8x1024xf32, #tpu.memory_space<vmem>> -> memref<1x8x1024xf32, #tpu.memory_space<vmem>>
    %dma_wait3A_331 = tpu.memref_squeeze %dma_wait3A_330 : memref<1x8x1024xf32, #tpu.memory_space<vmem>> -> memref<8x1024xf32, #tpu.memory_space<vmem>>
    tpu.wait_dma2 semaphore(%dma_wait3A_324 : memref<!tpu.dma_semaphore, #tpu.memory_space<semaphore_mem>>) src(%dma_wait3A_331 : memref<8x1024xf32, #tpu.memory_space<vmem>>) dst(%dma_wait3A_327 : memref<8x1024xf32, #tpu.memory_space<hbm>>)
    %dma_wait3A_332 = arith.constant 0 : i32
    %dma_wait3A_333 = tpu.memref_slice %arg13[%dma_wait3A_332] : memref<1024xf32, #tpu.memory_space<vmem>> -> memref<128xf32, #tpu.memory_space<vmem>>
    %dma_wait3A_334 = arith.constant 0 : i32
    %dma_wait3A_335 = tpu.memref_slice %arg11[%dma_wait3A_334] : memref<1024xi32, #tpu.memory_space<vmem>> -> memref<128xi32, #tpu.memory_space<vmem>>
    %dma_wait3A_336 = arith.constant 0 : i32
    %dma_wait3A_337 = tpu.memref_slice %arg6[%dma_wait3A_336] : memref<1024008xf32, #tpu.memory_space<hbm>> -> memref<1024008xf32, #tpu.memory_space<hbm>>
    tpu.wait_indirect_dma semaphore(%arg18 : memref<!tpu.dma_semaphore, #tpu.memory_space<semaphore_mem>>) src(%dma_wait3A_337 : memref<1024008xf32, #tpu.memory_space<hbm>>) dst(%dma_wait3A_333 : memref<128xf32, #tpu.memory_space<vmem>>)
    %dma_wait3A_338 = arith.constant 128 : i32
    %dma_wait3A_339 = tpu.memref_slice %arg13[%dma_wait3A_338] : memref<1024xf32, #tpu.memory_space<vmem>> -> memref<128xf32, #tpu.memory_space<vmem>>
    %dma_wait3A_340 = arith.constant 128 : i32
    %dma_wait3A_341 = tpu.memref_slice %arg11[%dma_wait3A_340] : memref<1024xi32, #tpu.memory_space<vmem>> -> memref<128xi32, #tpu.memory_space<vmem>>
    %dma_wait3A_342 = arith.constant 0 : i32
    %dma_wait3A_343 = tpu.memref_slice %arg6[%dma_wait3A_342] : memref<1024008xf32, #tpu.memory_space<hbm>> -> memref<1024008xf32, #tpu.memory_space<hbm>>
    tpu.wait_indirect_dma semaphore(%arg18 : memref<!tpu.dma_semaphore, #tpu.memory_space<semaphore_mem>>) src(%dma_wait3A_343 : memref<1024008xf32, #tpu.memory_space<hbm>>) dst(%dma_wait3A_339 : memref<128xf32, #tpu.memory_space<vmem>>)
    %dma_wait3A_344 = arith.constant 256 : i32
    %dma_wait3A_345 = tpu.memref_slice %arg13[%dma_wait3A_344] : memref<1024xf32, #tpu.memory_space<vmem>> -> memref<128xf32, #tpu.memory_space<vmem>>
    %dma_wait3A_346 = arith.constant 256 : i32
    %dma_wait3A_347 = tpu.memref_slice %arg11[%dma_wait3A_346] : memref<1024xi32, #tpu.memory_space<vmem>> -> memref<128xi32, #tpu.memory_space<vmem>>
    %dma_wait3A_348 = arith.constant 0 : i32
    %dma_wait3A_349 = tpu.memref_slice %arg6[%dma_wait3A_348] : memref<1024008xf32, #tpu.memory_space<hbm>> -> memref<1024008xf32, #tpu.memory_space<hbm>>
    tpu.wait_indirect_dma semaphore(%arg18 : memref<!tpu.dma_semaphore, #tpu.memory_space<semaphore_mem>>) src(%dma_wait3A_349 : memref<1024008xf32, #tpu.memory_space<hbm>>) dst(%dma_wait3A_345 : memref<128xf32, #tpu.memory_space<vmem>>)
    %dma_wait3A_350 = arith.constant 384 : i32
    %dma_wait3A_351 = tpu.memref_slice %arg13[%dma_wait3A_350] : memref<1024xf32, #tpu.memory_space<vmem>> -> memref<128xf32, #tpu.memory_space<vmem>>
    %dma_wait3A_352 = arith.constant 384 : i32
    %dma_wait3A_353 = tpu.memref_slice %arg11[%dma_wait3A_352] : memref<1024xi32, #tpu.memory_space<vmem>> -> memref<128xi32, #tpu.memory_space<vmem>>
    %dma_wait3A_354 = arith.constant 0 : i32
    %dma_wait3A_355 = tpu.memref_slice %arg6[%dma_wait3A_354] : memref<1024008xf32, #tpu.memory_space<hbm>> -> memref<1024008xf32, #tpu.memory_space<hbm>>
    tpu.wait_indirect_dma semaphore(%arg18 : memref<!tpu.dma_semaphore, #tpu.memory_space<semaphore_mem>>) src(%dma_wait3A_355 : memref<1024008xf32, #tpu.memory_space<hbm>>) dst(%dma_wait3A_351 : memref<128xf32, #tpu.memory_space<vmem>>)
    %dma_wait3A_356 = arith.constant 512 : i32
    %dma_wait3A_357 = tpu.memref_slice %arg13[%dma_wait3A_356] : memref<1024xf32, #tpu.memory_space<vmem>> -> memref<128xf32, #tpu.memory_space<vmem>>
    %dma_wait3A_358 = arith.constant 512 : i32
    %dma_wait3A_359 = tpu.memref_slice %arg11[%dma_wait3A_358] : memref<1024xi32, #tpu.memory_space<vmem>> -> memref<128xi32, #tpu.memory_space<vmem>>
    %dma_wait3A_360 = arith.constant 0 : i32
    %dma_wait3A_361 = tpu.memref_slice %arg6[%dma_wait3A_360] : memref<1024008xf32, #tpu.memory_space<hbm>> -> memref<1024008xf32, #tpu.memory_space<hbm>>
    tpu.wait_indirect_dma semaphore(%arg18 : memref<!tpu.dma_semaphore, #tpu.memory_space<semaphore_mem>>) src(%dma_wait3A_361 : memref<1024008xf32, #tpu.memory_space<hbm>>) dst(%dma_wait3A_357 : memref<128xf32, #tpu.memory_space<vmem>>)
    %dma_wait3A_362 = arith.constant 640 : i32
    %dma_wait3A_363 = tpu.memref_slice %arg13[%dma_wait3A_362] : memref<1024xf32, #tpu.memory_space<vmem>> -> memref<128xf32, #tpu.memory_space<vmem>>
    %dma_wait3A_364 = arith.constant 640 : i32
    %dma_wait3A_365 = tpu.memref_slice %arg11[%dma_wait3A_364] : memref<1024xi32, #tpu.memory_space<vmem>> -> memref<128xi32, #tpu.memory_space<vmem>>
    %dma_wait3A_366 = arith.constant 0 : i32
    %dma_wait3A_367 = tpu.memref_slice %arg6[%dma_wait3A_366] : memref<1024008xf32, #tpu.memory_space<hbm>> -> memref<1024008xf32, #tpu.memory_space<hbm>>
    tpu.wait_indirect_dma semaphore(%arg18 : memref<!tpu.dma_semaphore, #tpu.memory_space<semaphore_mem>>) src(%dma_wait3A_367 : memref<1024008xf32, #tpu.memory_space<hbm>>) dst(%dma_wait3A_363 : memref<128xf32, #tpu.memory_space<vmem>>)
    %dma_wait3A_368 = arith.constant 768 : i32
    %dma_wait3A_369 = tpu.memref_slice %arg13[%dma_wait3A_368] : memref<1024xf32, #tpu.memory_space<vmem>> -> memref<128xf32, #tpu.memory_space<vmem>>
    %dma_wait3A_370 = arith.constant 768 : i32
    %dma_wait3A_371 = tpu.memref_slice %arg11[%dma_wait3A_370] : memref<1024xi32, #tpu.memory_space<vmem>> -> memref<128xi32, #tpu.memory_space<vmem>>
    %dma_wait3A_372 = arith.constant 0 : i32
    %dma_wait3A_373 = tpu.memref_slice %arg6[%dma_wait3A_372] : memref<1024008xf32, #tpu.memory_space<hbm>> -> memref<1024008xf32, #tpu.memory_space<hbm>>
    tpu.wait_indirect_dma semaphore(%arg18 : memref<!tpu.dma_semaphore, #tpu.memory_space<semaphore_mem>>) src(%dma_wait3A_373 : memref<1024008xf32, #tpu.memory_space<hbm>>) dst(%dma_wait3A_369 : memref<128xf32, #tpu.memory_space<vmem>>)
    %dma_wait3A_374 = arith.constant 896 : i32
    %dma_wait3A_375 = tpu.memref_slice %arg13[%dma_wait3A_374] : memref<1024xf32, #tpu.memory_space<vmem>> -> memref<128xf32, #tpu.memory_space<vmem>>
    %dma_wait3A_376 = arith.constant 896 : i32
    %dma_wait3A_377 = tpu.memref_slice %arg11[%dma_wait3A_376] : memref<1024xi32, #tpu.memory_space<vmem>> -> memref<128xi32, #tpu.memory_space<vmem>>
    %dma_wait3A_378 = arith.constant 0 : i32
    %dma_wait3A_379 = tpu.memref_slice %arg6[%dma_wait3A_378] : memref<1024008xf32, #tpu.memory_space<hbm>> -> memref<1024008xf32, #tpu.memory_space<hbm>>
    tpu.wait_indirect_dma semaphore(%arg18 : memref<!tpu.dma_semaphore, #tpu.memory_space<semaphore_mem>>) src(%dma_wait3A_379 : memref<1024008xf32, #tpu.memory_space<hbm>>) dst(%dma_wait3A_375 : memref<128xf32, #tpu.memory_space<vmem>>)
    %broadcast_in_dim3A = arith.constant 0.000000e+00 : f32
    %broadcast_in_dim3A_380 = vector.broadcast %broadcast_in_dim3A : f32 to vector<16xf32>
    %swap3A = arith.constant 0 : index
    %swap3A_381 = tpu.vector_load %arg15[%swap3A] {strides = array<i32>} : memref<16xf32, #tpu.memory_space<vmem>>, vector<16xf32>,
    tpu.vector_store %arg15[%swap3A], %broadcast_in_dim3A_380 {strides = array<i32>} : memref<16xf32, #tpu.memory_space<vmem>>, vector<16xf32>,
    %scan3A_382 = arith.constant 0 : i32
    %scan3A_383 = arith.constant 0 : i32
    %scan3A_384 = arith.constant 64 : i32
    %scan3A_385 = arith.addi %scan3A_383, %scan3A_384 : i32
    %scan3A_386 = arith.constant 1 : i32
    scf.for %scan3A_388 = %scan3A_383 to %scan3A_385 step %scan3A_386  : i32 {
      %mul3A_389 = arith.constant 16 : i32
      %mul3A_390 = arith.muli %scan3A_388, %mul3A_389 : i32
      %get3A = arith.index_cast %mul3A_390 : i32 to index
      %get3A_391 = tpu.vector_load %arg9[%get3A] {strides = array<i32>} : memref<1024xi32, #tpu.memory_space<vmem>>, vector<16xi32>,
      %gather3A = tpu.vector_load_idx %arg14[%get3A_391] : memref<1000xf32, #tpu.memory_space<vmem>>[vector<16xi32>], vector<16xf32>,
      %get3A_392 = arith.constant 0 : index
      %get3A_393 = tpu.vector_load %arg15[%get3A_392] {strides = array<i32>} : memref<16xf32, #tpu.memory_space<vmem>>, vector<16xf32>,
      %get3A_394 = arith.index_cast %mul3A_390 : i32 to index
      %get3A_395 = tpu.vector_load %arg13[%get3A_394] {strides = array<i32>} : memref<1024xf32, #tpu.memory_space<vmem>>, vector<16xf32>,
      %sub3A = arith.subf %gather3A, %get3A_395 : vector<16xf32>
      %add3A_396 = arith.addf %get3A_393, %sub3A : vector<16xf32>
      %swap3A_397 = arith.constant 0 : index
      %swap3A_398 = tpu.vector_load %arg15[%swap3A_397] {strides = array<i32>} : memref<16xf32, #tpu.memory_space<vmem>>, vector<16xf32>,
      tpu.vector_store %arg15[%swap3A_397], %add3A_396 {strides = array<i32>} : memref<16xf32, #tpu.memory_space<vmem>>, vector<16xf32>,
    }
    %scan3A_387 = arith.constant 64 : i32
    "tpu.region"() ({
      %run_scoped3A = tpu.sem_alloc : memref<!tpu.dma_semaphore, #tpu.memory_space<semaphore_mem>>
      %dma_start3A_388 = arith.constant 0 : i32
      %dma_start3A_389 = tpu.memref_slice %arg8[%add3A, %dma_start3A_388] : memref<32x16xf32, #tpu.memory_space<hbm>> -> memref<1x16xf32, #tpu.memory_space<hbm>>
      %dma_start3A_390 = tpu.memref_squeeze %dma_start3A_389 : memref<1x16xf32, #tpu.memory_space<hbm>> -> memref<16xf32, #tpu.memory_space<hbm>>
      %dma_start3A_391 = arith.constant 0 : i32
      %dma_start3A_392 = tpu.memref_slice %arg8[%add3A, %dma_start3A_391] : memref<32x16xf32, #tpu.memory_space<hbm>> -> memref<1x16xf32, #tpu.memory_space<hbm>>
      %dma_start3A_393 = tpu.memref_squeeze %dma_start3A_392 : memref<1x16xf32, #tpu.memory_space<hbm>> -> memref<16xf32, #tpu.memory_space<hbm>>
      tpu.enqueue_dma source(%arg15 : memref<16xf32, #tpu.memory_space<vmem>>) target(%dma_start3A_393 : memref<16xf32, #tpu.memory_space<hbm>>) target_semaphore(%run_scoped3A : memref<!tpu.dma_semaphore, #tpu.memory_space<semaphore_mem>>)
      %dma_wait3A_394 = arith.constant 0 : i32
      %dma_wait3A_395 = tpu.memref_slice %arg8[%add3A, %dma_wait3A_394] : memref<32x16xf32, #tpu.memory_space<hbm>> -> memref<1x16xf32, #tpu.memory_space<hbm>>
      %dma_wait3A_396 = tpu.memref_squeeze %dma_wait3A_395 : memref<1x16xf32, #tpu.memory_space<hbm>> -> memref<16xf32, #tpu.memory_space<hbm>>
      %dma_wait3A_397 = arith.constant 0 : i32
      %dma_wait3A_398 = tpu.memref_slice %arg8[%add3A, %dma_wait3A_397] : memref<32x16xf32, #tpu.memory_space<hbm>> -> memref<1x16xf32, #tpu.memory_space<hbm>>
      %dma_wait3A_399 = tpu.memref_squeeze %dma_wait3A_398 : memref<1x16xf32, #tpu.memory_space<hbm>> -> memref<16xf32, #tpu.memory_space<hbm>>
      tpu.wait_dma2 semaphore(%run_scoped3A : memref<!tpu.dma_semaphore, #tpu.memory_space<semaphore_mem>>) src(%arg15 : memref<16xf32, #tpu.memory_space<vmem>>) dst(%dma_wait3A_399 : memref<16xf32, #tpu.memory_space<hbm>>)
      tpu.yield
    }) : () -> ()
    return
  }
}

module attributes {stable_mosaic.version = 14 : i64} {
  func.func @_row_lse_body(%arg0: memref<1000x1000xf32, #tpu.memory_space<vmem>>, %arg1: memref<1000xf32, #tpu.memory_space<vmem>>) attributes {dimension_semantics = [], scalar_prefetch = 0 : i64, scratch_operands = 0 : i64, tpu.core_type = #tpu.core_type<tc>} {
    %get3A = arith.constant 0 : index
    %get3A_0 = arith.constant 0 : index
    %get3A_1 = vector.load %arg0[%get3A, %get3A_0] : memref<1000x1000xf32, #tpu.memory_space<vmem>>, vector<1000x1000xf32>
    %reduce_max3A = arith.constant dense<0xFF800000> : vector<1000xf32>
    %reduce_max3A_2 = vector.multi_reduction <maximumf>, %get3A_1, %reduce_max3A [1] : vector<1000x1000xf32> to vector<1000xf32>
    %broadcast_in_dim3A = vector.shape_cast %reduce_max3A_2 : vector<1000xf32> to vector<1000x1xf32>
    %sub3A = vector.broadcast %broadcast_in_dim3A : vector<1000x1xf32> to vector<1000x1000xf32>
    %sub3A_3 = arith.subf %get3A_1, %sub3A : vector<1000x1000xf32>
    %exp3A = math.exp %sub3A_3 : vector<1000x1000xf32>
    %reduce_sum3A = arith.constant dense<0.000000e+00> : vector<1000xf32>
    %reduce_sum3A_4 = vector.multi_reduction <add>, %exp3A, %reduce_sum3A [1] : vector<1000x1000xf32> to vector<1000xf32>
    %log3A = math.log %reduce_sum3A_4 : vector<1000xf32>
    %add3A = arith.addf %log3A, %reduce_max3A_2 : vector<1000xf32>
    %swap3A = arith.constant 0 : index
    %swap3A_5 = vector.load %arg1[%swap3A] : memref<1000xf32, #tpu.memory_space<vmem>>, vector<1000xf32>
    tpu.vector_store %arg1[%swap3A], %add3A {strides = array<i32>} : memref<1000xf32, #tpu.memory_space<vmem>>, vector<1000xf32>,
    return
  }
}

module attributes {stable_mosaic.version = 14 : i64} {
  func.func @_finish_body(%arg0: memref<32x16xf32, #tpu.memory_space<vmem>>, %arg1: memref<1x1xf32, #tpu.memory_space<vmem>>) attributes {dimension_semantics = [], scalar_prefetch = 0 : i64, scratch_operands = 0 : i64, tpu.core_type = #tpu.core_type<tc>} {
    %get3A = arith.constant 0 : index
    %get3A_0 = arith.constant 0 : index
    %get3A_1 = vector.load %arg0[%get3A, %get3A_0] : memref<32x16xf32, #tpu.memory_space<vmem>>, vector<32x16xf32>
    %reduce_sum3A = vector.shape_cast %get3A_1 : vector<32x16xf32> to vector<1x32x16xf32>
    %reduce_sum3A_2 = arith.constant dense<0.000000e+00> : vector<1xf32>
    %reduce_sum3A_3 = vector.multi_reduction <add>, %reduce_sum3A, %reduce_sum3A_2 [1, 2] : vector<1x32x16xf32> to vector<1xf32>
    %reduce_sum3A_4 = vector.shape_cast %reduce_sum3A_3 : vector<1xf32> to vector<1x1x1xf32>
    %reduce_sum3A_5 = vector.extract %reduce_sum3A_4[0, 0, 0] : f32 from vector<1x1x1xf32>
    %div3A = arith.constant 3.276800e+04 : f32
    %div3A_6 = arith.divf %reduce_sum3A_5, %div3A : f32
    %reshape3A = vector.broadcast %div3A_6 : f32 to vector<1x1xf32>
    %swap3A = arith.constant 0 : index
    %swap3A_7 = arith.constant 0 : index
    %swap3A_8 = vector.load %arg1[%swap3A, %swap3A_7] : memref<1x1xf32, #tpu.memory_space<vmem>>, vector<1x1xf32>
    tpu.vector_store %arg1[%swap3A, %swap3A_7], %reshape3A {strides = array<i32>} : memref<1x1xf32, #tpu.memory_space<vmem>>, vector<1x1xf32>,
    return
  }
}

</mosaic_0001>

<sc_bundles>
// kernel: kernel.5.cloned.1.call-start
scs
__scs_entry_jumppad:
0x0: {  	(pc) =	sbr.rel $0x88, $3  }
0x1: {  	(tag) =	ssettag $0x0;
	lr =	simm.s32 $0x1  }
0x2: {  	[smem:$0x3F9E] =	sst lr;
	_ =	strace $0xD0000000  }
0x3: {  	_ = 	snop  }
0x4: {  	_ = 	snop  }
0x5: {  	_ = 	snop  }
0x6: {  	_ = 	snop  }
0x7: {  	_ = 	snop  }
__scs_overlays_trampoline_lowered:
0x8: {  	[smem:$0x3FAD] =	sst s0  }
0x9: {  	[smem:$0x3FAE] =	sst s1  }
0xa: {  	[smem:$0x3FAF] =	sst s2  }
0xb: {  	[smem:$0x3FB0] =	sst s3  }
0xc: {  	[smem:$0x3FB1] =	sst s4  }
0xd: {  	[smem:$0x3FB2] =	sst s5  }
0xe: {  	[smem:$0x3FB3] =	sst s6  }
0xf: {  	[smem:$0x3FB4] =	sst s7  }
0x10: {  	[smem:$0x3FB5] =	sst s8  }
0x11: {  	[smem:$0x3FB6] =	sst s9;
	s0 =	simm.s32 @!p0 $0x0  }
0x12: {  	s1 =	sld [smem:$0x3F9C];
	s0 =	simm.s32 @p0 $0x1  }
0x13: {  	[smem:$0x3FB7] =	sst s0;
	s0 =	simm.s32 @!p1 $0x0  }
0x14: {  	s2 =	sld [smem:$0x3F9B];
	s0 =	simm.s32 @p1 $0x1  }
0x15: {  	[smem:$0x3FB8] =	sst s0;
	s0 =	simm.s32 @!p2 $0x0  }
0x16: {  	s3 =	sld [smem:$0x3FDB];
	s0 =	simm.s32 @p2 $0x1  }
0x17: {  	s4 =	simm.s32 $0x1BF5;
	[smem:$0x3FBA] =	sst s0  }
0x18: {  	s0 =	sld [smem:$0x3F9D];
	_ =	swait.ge [sflag:s4], $0x0  }
0x19: {  	s7 =	sld [smem:$0x3F9E]  }
0x1a: {  	s8 =	sadd.s32 $0xFFFFE003, lr  }
0x1b: {  	s9 =	sadd.s32 $0xFFFFFEF7, lr;
	s5 =	simm.s32 $0xFFFFFFFF;
	p2 =	slt.u32 s8, $0xFFFFF086  }
0x1c: {  	p1 =	slt.u32 s9, $0xF7A;
	s5 =	simm.s32 @!p2 $0x0  }
0x1d: {  	s5 =	simm.s32 @p1 $0x1;
	p0 =	seq.s32 s7, s2  }
0x1e: {  	s7 =	smul.u32 @!p0 $0xF7A, s2;
	p2 =	seq.s32 @!p0 s5, $0x0  }
0x1f: {  	s9 =	smul.u32 $0xF7A, s1;
	s8 =	simm.s32 @!p0 $0x1BF5;
	p2 =	por !p2, p0  }
0x20: {  	[sflag:s8] =	ssyncset.s32 @!p0 $0xFFFFF086;
	s6 =	sadd.s32 @!p0 s3, s7;
	s7 =	simm.s32 @!p0 $0x108  }
0x21: {  	s3 =	sadd.s32 s3, s9;
	s6 =	sadd.s32 @!p0 $0x88, s6;
	s7 =	simm.s32 @p2 $0x1082  }
0x22: {  	[simem:s7], [sflag:s8] =	dma.local @!p0 [hbm:s6], $0xF7A  }
0x23: {  	s9 =	sor.u32 $0xD0000000, s2;
	s6 =	simm.s32 $0x108;
	_ =	swait.ge @!p0 [sflag:s8], $0x0  }
0x24: {  	s3 =	sadd.s32 $0x88, s3;
	s6 =	simm.s32 @!p1 $0x1082;
	[sflag:s4] =	ssyncset.s32 $0xFFFFF086  }
0x25: {  	[simem:s6], [sflag:s4] =	dma.local [hbm:s3], $0xF7A  }
0x26: {  	[smem:$0x3F9E] =	sst s1;
	(tag) =	ssettag s2;
	_ =	strace s9  }
0x27: {  	s1 =	sld [smem:$0x3FAE]  }
0x28: {  	s2 =	sld [smem:$0x3FAF]  }
0x29: {  	s4 =	sld [smem:$0x3FB1]  }
0x2a: {  	p0 =	seq.s32 s5, $0x0;
	s5 =	sld [smem:$0x3FB2]  }
0x2b: {  	s6 =	sld [smem:$0x3FB3]  }
0x2c: {  	s7 =	sld [smem:$0x3FB4]  }
0x2d: {  	s3 =	simm.s32 $0x108;
	s8 =	sld [smem:$0x3FB5]  }
0x2e: {  	s3 =	simm.s32 @!p0 $0x1082;
	s9 =	sld [smem:$0x3FB6]  }
0x2f: {  	lr =	sadd.s32 s0, s3;
	s0 =	sld [smem:$0x3FAD]  }
0x30: {  	s3 =	sld [smem:$0x3FB0]  }
0x31: {  	[smem:$0x3FB9] =	sst s10  }
0x32: {  	s10 =	sld [smem:$0x3FB7];
	_ =	sdelay $0x3  }
0x33: {  	p0 =	seq.s32 s10, $0x1;
	s10 =	sld [smem:$0x3FB9];
	_ =	sdelay $0x3  }
0x34: {  	[smem:$0x3FB9] =	sst s10  }
0x35: {  	s10 =	sld [smem:$0x3FB8];
	_ =	sdelay $0x3  }
0x36: {  	p1 =	seq.s32 s10, $0x1;
	s10 =	sld [smem:$0x3FB9];
	_ =	sdelay $0x3  }
0x37: {  	[smem:$0x3FB9] =	sst s10  }
0x38: {  	s10 =	sld [smem:$0x3FBA]  }
0x39: {  	_ = 	snop;
	(pc) =	sbr.ind lr, $3  }
0x3a: {  	_ = 	snop  }
0x3b: {  	_ = 	snop  }
0x3c: {  	p2 =	seq.s32 s10, $0x1;
	s10 =	sld [smem:$0x3FB9]  }
0x3d: {  	_ =	shalt  }
0x3e: {  	_ =	shalt  }
0x3f: {  	_ =	shalt  }
0x40: {  	_ =	shalt  }
0x41: {  	_ =	shalt  }
0x42: {  	_ =	shalt  }
0x43: {  	_ =	shalt  }
0x44: {  	_ =	shalt  }
0x45: {  	_ =	shalt  }
0x46: {  	_ =	shalt  }
0x47: {  	_ =	shalt  }
0x48: {  	_ =	shalt  }
0x49: {  	_ =	shalt  }
0x4a: {  	_ =	shalt  }
0x4b: {  	_ =	shalt  }
0x4c: {  	_ =	shalt  }
0x4d: {  	_ =	shalt  }
0x4e: {  	_ =	shalt  }
0x4f: {  	_ =	shalt  }
0x50: {  	_ =	shalt  }
0x51: {  	_ =	shalt  }
0x52: {  	_ =	shalt  }
0x53: {  	_ =	shalt  }
0x54: {  	_ =	shalt  }
0x55: {  	_ =	shalt  }
0x56: {  	_ =	shalt  }
0x57: {  	_ =	shalt  }
0x58: {  	_ =	shalt  }
0x59: {  	_ =	shalt  }
0x5a: {  	_ =	shalt  }
0x5b: {  	_ =	shalt  }
0x5c: {  	_ =	shalt  }
0x5d: {  	_ =	shalt  }
0x5e: {  	_ =	shalt  }
0x5f: {  	_ =	shalt  }
0x60: {  	_ =	shalt  }
0x61: {  	_ =	shalt  }
0x62: {  	_ =	shalt  }
0x63: {  	_ =	shalt  }
0x64: {  	_ =	shalt  }
0x65: {  	_ =	shalt  }
0x66: {  	_ =	shalt  }
0x67: {  	_ =	shalt  }
0x68: {  	_ =	shalt  }
0x69: {  	_ =	shalt  }
0x6a: {  	_ =	shalt  }
0x6b: {  	_ =	shalt  }
0x6c: {  	_ =	shalt  }
0x6d: {  	_ =	shalt  }
0x6e: {  	_ =	shalt  }
0x6f: {  	_ =	shalt  }
0x70: {  	_ =	shalt  }
0x71: {  	_ =	shalt  }
0x72: {  	_ =	shalt  }
0x73: {  	_ =	shalt  }
0x74: {  	_ =	shalt  }
0x75: {  	_ =	shalt  }
0x76: {  	_ =	shalt  }
0x77: {  	_ =	shalt  }
0x78: {  	_ =	shalt  }
0x79: {  	_ =	shalt  }
0x7a: {  	_ =	shalt  }
0x7b: {  	_ =	shalt  }
0x7c: {  	_ =	shalt  }
0x7d: {  	_ =	shalt  }
0x7e: {  	_ =	shalt  }
0x7f: {  	_ =	shalt  }
0x80: {  	_ =	shalt  }
0x81: {  	_ =	shalt  }
0x82: {  	_ =	shalt  }
0x83: {  	_ =	shalt  }
0x84: {  	_ =	shalt  }
0x85: {  	_ =	shalt  }
0x86: {  	_ =	shalt  }
0x87: {  	_ =	shalt  }
.Lfunc_end0:
.L_simem_size_0:
called_computation.1_lowered:
.L_overlay_start_0:
0x88: {  	s2 =	sld [smem:$0x3FD9]  }
0x89: {  	s3 =	sld [smem:$0x3FFE];
	_ =	sdelay $0x1  }
0x8a: {  	s1 =	srdreg.scid  }
0x8b: {  	s0 =	sand.u32 $0x1, s1  }
0x8c: {  	s14 =	sshll.u32 s0, $0xA;
	s2 =	sadd.s32 s3, s2  }
0x8d: {  	s2 =	sadd.s32 s2, s14  }
0x8e: {  	[smem:$0x3FC5] =	sst s2  }
0x8f: {  	_ = 	snop  }
0x90: {  	s2 =	sld [smem:$0x3FD0];
	_ =	sdelay $0x1  }
0x91: {  	s15 =	sld [smem:$0x3FC9]  }
0x92: {  	s5 =	simm.s32 $0xA;
	s6 =	simm.s32 $0x10;
	s4 =	sld [smem:$0x3FC8]  }
0x93: {  	[smem:s6], [sflag:s5] =	dma.local [hbm:s2], $0x1  }
0x94: {  	_ =	swait.eq [sflag:s5], $0x1  }
0x95: {  	[sflag:s5] =	ssyncset.done $0x0  }
0x96: {  	[sflag:s5] =	ssyncadd.s32 $0xFFFFFFFF  }
0x97: {  	s16 =	sld [smem:$0x10];
	(tm) =	ssettm $0x1  }
0x98: {  	s17 =	sld [smem:$0x3FFB];
	_ =	sdelay $0x3  }
0x99: {  	_ =	strace s17  }
0x9a: {  	s5 =	sld [smem:$0x3FFC];
	_ =	sdelay $0x3  }
0x9b: {  	_ =	strace s5  }
0x9c: {  	s5 =	sld [smem:$0x3FFD];
	_ =	sdelay $0x3  }
0x9d: {  	_ =	strace s5  }
0x9e: {  	_ =	strace $0x8FFFFFFF  }
0x9f: {  	s18 =	sld [smem:$0x3FDB];
	_ =	sdelay $0x1  }
0xa0: {  	s19 =	simm.s32 $_scs_section_size  }
0xa1: {  	s7 =	simm.s32 $_size__tile_overlayer_lowered;
	s8 =	simm.s32 $_tile_overlayer_lowered  }
0xa2: {  	s22 =	simm.s32 $0x1BFF;
	s21 =	sshll.u32 s8, $0x1;
	s5 =	sadd.s32 s19, s18  }
0xa3: {  	s9 =	simm.s32 $0x0;
	s20 =	sshll.u32 s7, $0x1;
	s7 =	sadd.s32 s21, s5  }
0xa4: {  	[timem:s9], [sflag:s22] =	dma.local [hbm:s7], s20  }
0xa5: {  	_ =	swait.ge [sflag:s22], s20  }
0xa6: {  	s6 =	ssub.s32 $0x0, s20;
	[sflag:s22] =	ssyncset.done $0x0  }
0xa7: {  	[sflag:s22] =	ssyncadd.s32 s6;
	_ =	sdelay $0x1  }
0xa8: {  	s23 =	simm.s32 $0x1B8B  }
0xa9: {  	_ =	swait.ge [sflag:s23], $0x1  }
0xaa: {  	[sflag:s23] =	ssyncset.done $0x0  }
0xab: {  	s25 =	simm.s32 $0x1B8E;
	s24 =	sld [smem:$0x3FFE];
	[sflag:s23] =	ssyncadd.s32 $0xFFFFFFFF  }
0xac: {  	s26 =	simm.s32 $execute0_lowered;
	[smem:$0x3FD2] =	sst s25  }
0xad: {  	s7 =	sshll.u32 s26, $0x1;
	_ =	strace $0x80000046;
	[dreg:$0x1] =	wrdreg $0xFFFFFFFF  }
0xae: {  	s28 =	simm.s32 $_size_execute0_lowered;
	s5 =	sadd.s32 s5, s7;
	[dreg:$0x0] =	wrdreg $0x0  }
0xaf: {  	s7 =	sshll.u32 s28, $0x1;
	[dreg:$0x2] =	wrdreg s5  }
0xb0: {  	[dreg:$0x3] =	wrdreg s7  }
0xb1: {  	[dreg:$0x4] =	wrdreg $0xC0  }
0xb2: {  	_ =	task [dreg:s9], $0x5FFFF  }
0xb3: {  	[dreg:$0x1] =	wrdreg $0xFFFFFFFF  }
0xb4: {  	[dreg:$0x0] =	wrdreg $0x60  }
0xb5: {  	[dreg:$0x2] =	wrdreg s15  }
0xb6: {  	[dreg:$0x3] =	wrdreg s4  }
0xb7: {  	[dreg:$0x4] =	wrdreg s24  }
0xb8: {  	[dreg:$0x5] =	wrdreg s16  }
0xb9: {  	[dreg:$0x6] =	wrdreg $0x9  }
0xba: {  	_ =	task.clear_ibuf [dreg:s9], $0x7FFFF;
	_ =	strace $0x90000046  }
0xbb: {  	s29 =	simm.s32 $0x9;
	_ =	strace $0x80000048  }
0xbc: {  	_ =	swait.ge [sflag:s29], $0x1  }
0xbd: {  	[sflag:s29] =	ssyncadd.s32 $0xFFFFFFFF  }
0xbe: {  	_ =	strace $0x90000048  }
0xbf: {  	_ =	sfence  }
0xc0: {  	s30 =	sld [smem:$0x0];
	_ =	sdelay $0x2  }
0xc1: {  	s31 =	sshll.u32 s1, $0xD;
	s1 =	sshrl.u32 s1, $0x2  }
0xc2: {  	s3 =	sand.u32 $0x4000, s31;
	s1 =	sadd.s32 s1, s30  }
0xc3: {  	s0 =	sor.u32 s3, s0;
	s1 =	sshll.u32 s1, $0x11  }
0xc4: {  	s0 =	sor.u32 s1, s0  }
0xc5: {  	s0 =	sadd.s32 $0x8F2B, s0  }
0xc6: {  	[sflag:s0] =	ssyncadd.remote.s32 $0x1  }
0xc7: {  	_ =	sfence.sel $0xFFFF  }
0xc8: {  	[dreg:$0x0] =	wrdreg $0xFFFFFFFF;
	(pc) =	sbr.abs _section_cstart, $3  }
0xc9: {  	[dreg:$0x1] =	wrdreg $0xFFFFFFFF  }
0xca: {  	_ =	task.clear_ibuf [dreg:s9], $0x2FFFF;
	_ =	strace $0x9FFFFFFF  }
0xcb: {  	(tm) =	ssettm $0x7FFFFFFF  }
tec
execute0_lowered:
.L_overlay_start_1:
0x0: {  	(tag) =	ssettag $0x1  }
0x1: {  	s0 =	rddreg [dreg:$0x0]  }
0x2: {  	s1 =	rddreg [dreg:$0x1]  }
0x3: {  	s3 =	rddreg [dreg:$0x2]  }
0x4: {  	s2 =	simm.s32 $0x0;
	s4 =	srdreg.scid;
	s9 =	stileid.u32  }
0x5: {  	s16 =	simm.s32 $0x80;
	s14 =	simm.s32 $0x12;
	s30 =	simm.s32 $0x6C00  }
0x6: {  	s18 =	simm.s32 $0x8C00;
	s29 =	simm.s32 $0xCC00;
	s19 =	simm.s32 $0xEC00  }
0x7: {  	s20 =	simm.s32 $0xF400;
	s28 =	simm.s32 $0x1;
	s31 =	simm.s32 $0x2  }
0x8: {  	s15 =	simm.s32 $0x7;
	[smem:$0x7FF] =	sst s2;
	s5 =	sadd.s32 $0x1400, s3  }
0x9: {  	s4 =	sand.u32 $0x1, s4;
	s6 =	sshll.u32 s9, $0x8;
	s8 =	sshll.u32 s9, $0x12  }
0xa: {  	s9 =	sshrl.u32 s9, $0x2;
	_ =	strace $0x80000047;
	[dreg:$0x5] =	wrdreg s5  }
0xb: {  	s5 =	sadd.s32 $0x1600, s3;
	s7 =	sshll.u32 s4, $0x7;
	s10 =	sadd.s32 s8, s3  }
0xc: {  	s21 =	sshll.u32 s9, $0xA;
	s22 =	ssub.s32 $0x2, s4;
	s9 =	sshll.u32 s9, $0xD  }
0xd: {  	s8 =	sadd.s32 $0x1800, s3;
	s24 =	sshll.u32 s4, $0x11;
	s6 =	sor.u32 s7, s6  }
0xe: {  	s4 =	simm.s32 $0x5;
	s11 =	sshrl.u32 s22, $0x1;
	s6 =	sand.u32 $0x380, s6  }
0xf: {  	s11 =	ssub.s32 s22, s11;
	s22 =	simm.s32 $0xFC00;
	s7 =	sor.u32 s21, s6  }
0x10: {  	s6 =	sor.u32 s9, s6;
	s9 =	sadd.s32 $0x1900, s3;
	s26 =	smax.u32 s11, $0x1  }
0x11: {  	s21 =	simm.s32 $0x2C00;
	s11 =	simm.s32 $0x0;
	s7 =	sshrl.u32 s7, $0x3  }
0x12: {  	s6 =	sshrl.u32 s6, $0x3;
	[dreg:$0x9] =	wrdreg s26;
	s26 =	simm.s32 $0x11000  }
0x13: {  	s12 =	sadd.s32 s7, s3;
	s0 =	sadd.s32 s0, s6;
	s7 =	sadd.s32 $0x1700, s3  }
0x14: {  	s23 =	sadd.s32 s1, s6;
	s3 =	simm.s32 $0x4;
	[dreg:$0x6] =	wrdreg s0  }
0x15: {  	s6 =	simm.s32 $0x6;
	[dreg:$0x7] =	wrdreg s23;
	s25 =	sadd.s32 $0x20A00, s12  }
0x16: {  	v0 =	vlaneseq.u32;
	s0 =	sadd.s32 s24, s10;
	s23 =	simm.s32 $0xAC00;
	s24 =	simm.s32 $0x10400  }
0x17: {  	v1 =	vshrl.u32 v0, $0x3;
	s10 =	simm.s32 $0x8;
	s12 =	simm.s32 $0x10;
	[dreg:$0x8] =	wrdreg s25  }
0x18: {  	vm0 =	vmmov $0xffff;
	v0 =	vand.u32 $0x7, v0;
	v1 =	vmul.u32 $0x8, v1;
	s13 =	sadd.s32 $0x20C00, s0;
	s25 =	simm.s32 $0x4C00;
	s0 =	simm.s32 $0x3  }
.LBB2_1:
0x19: {  	[dreg:$0xa] =	wrdreg s11  }
0x1a: {  	s1 =	rddreg [dreg:$0x6];
	s11 =	simm.s32 $0x400  }
0x1b: {  	[tilespmem:s2], [sflag:$0x12] =	stream.strided.gather [hbm4b:s1+s16], $0x400, s11, s16, $0x38;
	[tilespmem:$0x11480] =	vst v63  }
0x1c: {  	_ =	swait.ge [sflag:s14], $0x400  }
0x1d: {  	[sflag:s14] =	ssyncset.done $0x0  }
0x1e: {  	[sflag:s14] =	ssyncadd.s32 $0xFFFFFC00  }
0x1f: {  	v2 =	vld.msk [tilespmem:$0x0], $0xff;
	_ =	sdelay $0x4  }
0x20: {  	v3 =	vshll.u32 v2, $0x3  }
0x21: {  	v2 =	vand.u32 $0x7, v2;
	v3 =	vand.u32 $0xFFFFFFC0, v3  }
0x22: {  	v2 =	vor.u32 v2, v3  }
0x23: {  	v2 =	vperm.xlane v2, v0;
	_ =	sdelay $0x1  }
0x24: {  	v2 =	vadd.s32 v1, v2;
	_ =	sdelay $0x3  }
0x25: {  	s17 =	simm.s32 $0xC00  }
0x26: {  	[tilespmem:s17], [sflag:$0x1] =	stream.indirect_vreg.gather [hbm4b:s5+s2], $0x80, v2, vm0, $0xb8;
	[tilespmem:$0x11480] =	vst v63  }
0x27: {  	s17 =	simm.s32 $0x1400  }
0x28: {  	[tilespmem:s17], [sflag:$0x1] =	stream.indirect_vreg.gather [hbm4b:s7+s2], $0x80, v2, vm0, $0xb8;
	[tilespmem:$0x11480] =	vst v63  }
0x29: {  	s17 =	simm.s32 $0x1C00  }
0x2a: {  	[tilespmem:s17], [sflag:$0x1] =	stream.indirect_vreg.gather [hbm4b:s8+s2], $0x80, v2, vm0, $0xb8;
	[tilespmem:$0x11480] =	vst v63  }
0x2b: {  	s17 =	simm.s32 $0x2400  }
0x2c: {  	[tilespmem:s17], [sflag:$0x1] =	stream.indirect_vreg.gather [hbm4b:s9+s2], $0x80, v2, vm0, $0xb8;
	[tilespmem:$0x11480] =	vst v63  }
0x2d: {  	v2 =	vld.msk [tilespmem:$0x8], $0xff;
	_ =	sdelay $0x4  }
0x2e: {  	v3 =	vshll.u32 v2, $0x3  }
0x2f: {  	v2 =	vand.u32 $0x7, v2;
	v3 =	vand.u32 $0xFFFFFFC0, v3  }
0x30: {  	v2 =	vor.u32 v2, v3  }
0x31: {  	v2 =	vperm.xlane v2, v0;
	_ =	sdelay $0x1  }
0x32: {  	v2 =	vadd.s32 v1, v2;
	_ =	sdelay $0x4  }
0x33: {  	[tilespmem:s21], [sflag:$0x2] =	stream.indirect_vreg.gather [hbm4b:s5+s2], $0x80, v2, vm0, $0xb8;
	[tilespmem:$0x11480] =	vst v63  }
0x34: {  	s17 =	simm.s32 $0x3400  }
0x35: {  	[tilespmem:s17], [sflag:$0x2] =	stream.indirect_vreg.gather [hbm4b:s7+s2], $0x80, v2, vm0, $0xb8;
	[tilespmem:$0x11480] =	vst v63  }
0x36: {  	s17 =	simm.s32 $0x3C00  }
0x37: {  	[tilespmem:s17], [sflag:$0x2] =	stream.indirect_vreg.gather [hbm4b:s8+s2], $0x80, v2, vm0, $0xb8;
	[tilespmem:$0x11480] =	vst v63  }
0x38: {  	s17 =	simm.s32 $0x4400  }
0x39: {  	[tilespmem:s17], [sflag:$0x2] =	stream.indirect_vreg.gather [hbm4b:s9+s2], $0x80, v2, vm0, $0xb8;
	[tilespmem:$0x11480] =	vst v63  }
0x3a: {  	v2 =	vld.msk [tilespmem:$0x10], $0xff;
	_ =	sdelay $0x4  }
0x3b: {  	v3 =	vshll.u32 v2, $0x3  }
0x3c: {  	v2 =	vand.u32 $0x7, v2;
	v3 =	vand.u32 $0xFFFFFFC0, v3  }
0x3d: {  	v2 =	vor.u32 v2, v3  }
0x3e: {  	v2 =	vperm.xlane v2, v0;
	_ =	sdelay $0x1  }
0x3f: {  	v2 =	vadd.s32 v1, v2;
	_ =	sdelay $0x4  }
0x40: {  	[tilespmem:s25], [sflag:$0x3] =	stream.indirect_vreg.gather [hbm4b:s5+s2], $0x80, v2, vm0, $0xb8;
	[tilespmem:$0x11480] =	vst v63  }
0x41: {  	s17 =	simm.s32 $0x5400  }
0x42: {  	[tilespmem:s17], [sflag:$0x3] =	stream.indirect_vreg.gather [hbm4b:s7+s2], $0x80, v2, vm0, $0xb8;
	[tilespmem:$0x11480] =	vst v63  }
0x43: {  	s17 =	simm.s32 $0x5C00  }
0x44: {  	[tilespmem:s17], [sflag:$0x3] =	stream.indirect_vreg.gather [hbm4b:s8+s2], $0x80, v2, vm0, $0xb8;
	[tilespmem:$0x11480] =	vst v63  }
0x45: {  	s17 =	simm.s32 $0x6400  }
0x46: {  	[tilespmem:s17], [sflag:$0x3] =	stream.indirect_vreg.gather [hbm4b:s9+s2], $0x80, v2, vm0, $0xb8;
	[tilespmem:$0x11480] =	vst v63  }
0x47: {  	v2 =	vld.msk [tilespmem:$0x18], $0xff;
	_ =	sdelay $0x4  }
0x48: {  	v3 =	vshll.u32 v2, $0x3  }
0x49: {  	v2 =	vand.u32 $0x7, v2;
	v3 =	vand.u32 $0xFFFFFFC0, v3  }
0x4a: {  	v2 =	vor.u32 v2, v3  }
0x4b: {  	v2 =	vperm.xlane v2, v0;
	_ =	sdelay $0x1  }
0x4c: {  	v2 =	vadd.s32 v1, v2;
	_ =	sdelay $0x4  }
0x4d: {  	[tilespmem:s30], [sflag:$0x4] =	stream.indirect_vreg.gather [hbm4b:s5+s2], $0x80, v2, vm0, $0xb8;
	[tilespmem:$0x11480] =	vst v63  }
0x4e: {  	s17 =	simm.s32 $0x7400  }
0x4f: {  	[tilespmem:s17], [sflag:$0x4] =	stream.indirect_vreg.gather [hbm4b:s7+s2], $0x80, v2, vm0, $0xb8;
	[tilespmem:$0x11480] =	vst v63  }
0x50: {  	s17 =	simm.s32 $0x7C00  }
0x51: {  	[tilespmem:s17], [sflag:$0x4] =	stream.indirect_vreg.gather [hbm4b:s8+s2], $0x80, v2, vm0, $0xb8;
	[tilespmem:$0x11480] =	vst v63  }
0x52: {  	s17 =	simm.s32 $0x8400  }
0x53: {  	[tilespmem:s17], [sflag:$0x4] =	stream.indirect_vreg.gather [hbm4b:s9+s2], $0x80, v2, vm0, $0xb8;
	[tilespmem:$0x11480] =	vst v63  }
0x54: {  	v2 =	vld.msk [tilespmem:$0x20], $0xff;
	_ =	sdelay $0x4  }
0x55: {  	v3 =	vshll.u32 v2, $0x3  }
0x56: {  	v2 =	vand.u32 $0x7, v2;
	v3 =	vand.u32 $0xFFFFFFC0, v3  }
0x57: {  	v2 =	vor.u32 v2, v3  }
0x58: {  	v2 =	vperm.xlane v2, v0;
	_ =	sdelay $0x1  }
0x59: {  	v2 =	vadd.s32 v1, v2;
	_ =	sdelay $0x4  }
0x5a: {  	[tilespmem:s18], [sflag:$0x5] =	stream.indirect_vreg.gather [hbm4b:s5+s2], $0x80, v2, vm0, $0xb8;
	[tilespmem:$0x11480] =	vst v63  }
0x5b: {  	s17 =	simm.s32 $0x9400  }
0x5c: {  	[tilespmem:s17], [sflag:$0x5] =	stream.indirect_vreg.gather [hbm4b:s7+s2], $0x80, v2, vm0, $0xb8;
	[tilespmem:$0x11480] =	vst v63  }
0x5d: {  	s17 =	simm.s32 $0x9C00  }
0x5e: {  	[tilespmem:s17], [sflag:$0x5] =	stream.indirect_vreg.gather [hbm4b:s8+s2], $0x80, v2, vm0, $0xb8;
	[tilespmem:$0x11480] =	vst v63  }
0x5f: {  	s17 =	simm.s32 $0xA400  }
0x60: {  	[tilespmem:s17], [sflag:$0x5] =	stream.indirect_vreg.gather [hbm4b:s9+s2], $0x80, v2, vm0, $0xb8;
	[tilespmem:$0x11480] =	vst v63  }
0x61: {  	v2 =	vld.msk [tilespmem:$0x28], $0xff;
	_ =	sdelay $0x4  }
0x62: {  	v3 =	vshll.u32 v2, $0x3  }
0x63: {  	v2 =	vand.u32 $0x7, v2;
	v3 =	vand.u32 $0xFFFFFFC0, v3  }
0x64: {  	v2 =	vor.u32 v2, v3  }
0x65: {  	v2 =	vperm.xlane v2, v0;
	_ =	sdelay $0x1  }
0x66: {  	v2 =	vadd.s32 v1, v2;
	_ =	sdelay $0x4  }
0x67: {  	[tilespmem:s23], [sflag:$0x6] =	stream.indirect_vreg.gather [hbm4b:s5+s2], $0x80, v2, vm0, $0xb8;
	[tilespmem:$0x11480] =	vst v63  }
0x68: {  	s17 =	simm.s32 $0xB400  }
0x69: {  	[tilespmem:s17], [sflag:$0x6] =	stream.indirect_vreg.gather [hbm4b:s7+s2], $0x80, v2, vm0, $0xb8;
	[tilespmem:$0x11480] =	vst v63  }
0x6a: {  	s17 =	simm.s32 $0xBC00  }
0x6b: {  	[tilespmem:s17], [sflag:$0x6] =	stream.indirect_vreg.gather [hbm4b:s8+s2], $0x80, v2, vm0, $0xb8;
	[tilespmem:$0x11480] =	vst v63  }
0x6c: {  	s17 =	simm.s32 $0xC400  }
0x6d: {  	[tilespmem:s17], [sflag:$0x6] =	stream.indirect_vreg.gather [hbm4b:s9+s2], $0x80, v2, vm0, $0xb8;
	[tilespmem:$0x11480] =	vst v63  }
0x6e: {  	v2 =	vld.msk [tilespmem:$0x30], $0xff;
	_ =	sdelay $0x4  }
0x6f: {  	v3 =	vshll.u32 v2, $0x3  }
0x70: {  	v2 =	vand.u32 $0x7, v2;
	v3 =	vand.u32 $0xFFFFFFC0, v3  }
0x71: {  	v2 =	vor.u32 v2, v3  }
0x72: {  	v2 =	vperm.xlane v2, v0;
	_ =	sdelay $0x1  }
0x73: {  	v2 =	vadd.s32 v1, v2;
	_ =	sdelay $0x4  }
0x74: {  	[tilespmem:s29], [sflag:$0x7] =	stream.indirect_vreg.gather [hbm4b:s5+s2], $0x80, v2, vm0, $0xb8;
	[tilespmem:$0x11480] =	vst v63  }
0x75: {  	s17 =	simm.s32 $0xD400  }
0x76: {  	[tilespmem:s17], [sflag:$0x7] =	stream.indirect_vreg.gather [hbm4b:s7+s2], $0x80, v2, vm0, $0xb8;
	[tilespmem:$0x11480] =	vst v63  }
0x77: {  	s17 =	simm.s32 $0xDC00  }
0x78: {  	[tilespmem:s17], [sflag:$0x7] =	stream.indirect_vreg.gather [hbm4b:s8+s2], $0x80, v2, vm0, $0xb8;
	[tilespmem:$0x11480] =	vst v63  }
0x79: {  	s17 =	simm.s32 $0xE400  }
0x7a: {  	[tilespmem:s17], [sflag:$0x7] =	stream.indirect_vreg.gather [hbm4b:s9+s2], $0x80, v2, vm0, $0xb8;
	[tilespmem:$0x11480] =	vst v63  }
0x7b: {  	v2 =	vld.msk [tilespmem:$0x38], $0xff;
	_ =	sdelay $0x4  }
0x7c: {  	v3 =	vshll.u32 v2, $0x3  }
0x7d: {  	v2 =	vand.u32 $0x7, v2;
	v3 =	vand.u32 $0xFFFFFFC0, v3  }
0x7e: {  	v2 =	vor.u32 v2, v3  }
0x7f: {  	v2 =	vperm.xlane v2, v0;
	_ =	sdelay $0x1  }
0x80: {  	v2 =	vadd.s32 v1, v2;
	_ =	sdelay $0x4  }
0x81: {  	[tilespmem:s19], [sflag:$0x8] =	stream.indirect_vreg.gather [hbm4b:s5+s2], $0x80, v2, vm0, $0xb8;
	[tilespmem:$0x11480] =	vst v63  }
0x82: {  	_ = 	snop  }
0x83: {  	[tilespmem:s20], [sflag:$0x8] =	stream.indirect_vreg.gather [hbm4b:s7+s2], $0x80, v2, vm0, $0xb8;
	[tilespmem:$0x11480] =	vst v63  }
0x84: {  	_ = 	snop  }
0x85: {  	[tilespmem:s22], [sflag:$0x8] =	stream.indirect_vreg.gather [hbm4b:s8+s2], $0x80, v2, vm0, $0xb8;
	[tilespmem:$0x11480] =	vst v63  }
0x86: {  	_ = 	snop  }
0x87: {  	[tilespmem:s24], [sflag:$0x8] =	stream.indirect_vreg.gather [hbm4b:s9+s2], $0x80, v2, vm0, $0xb8;
	[tilespmem:$0x11480] =	vst v63  }
0x88: {  	s17 =	rddreg [dreg:$0x7]  }
0x89: {  	[tilespmem:s11], [sflag:$0x12] =	stream.strided.gather [hbm4b:s17+s16], $0x400, s11, s16, $0x38;
	[tilespmem:$0x11480] =	vst v63  }
0x8a: {  	_ =	swait.ge [sflag:s14], $0x400  }
0x8b: {  	[sflag:s14] =	ssyncset.done $0x0  }
0x8c: {  	s17 =	rddreg [dreg:$0x5];
	[sflag:s14] =	ssyncadd.s32 $0xFFFFFC00  }
0x8d: {  	[tilespmem:s26], [sflag:$0x12] =	stream.linear.gather [hbm4b:s17+s2], $0x400, $0x38;
	[tilespmem:$0x11480] =	vst v63  }
0x8e: {  	_ =	swait.ge [sflag:s14], $0x400  }
0x8f: {  	[sflag:s14] =	ssyncset.done $0x0  }
0x90: {  	s1 =	simm.s32 $0x0;
	[sflag:s14] =	ssyncadd.s32 $0xFFFFFC00  }
0x91: {  	v2 =	vld [tilespmem:s1+$0x0]  }
0x92: {  	s11 =	simm.s32 $0x40;
	v3 =	vld [tilespmem:s1+$0x400]  }
.LBB2_2:
0x93: {  	p0 =	sne.s32 s11, $0xFC0  }
.Ltmp0:
0x94: {  	_ = 	snop;
	(pc) =	sbr.rel @p0 .LBB2_2-.Ltmp0, $4  }
0x95: {  	_ = 	snop  }
0x96: {  	s14 =	sshra.s32 s11, $0x2;
	s11 =	sadd.s32 $0x40, s11;
	v4 =	vshll.u32 v2, $0xA  }
0x97: {  	v2 =	vld [tilespmem:s14+$0x0];
	v4 =	vadd.s32 v3, v4  }
0x98: {  	v3 =	vld [tilespmem:s14+$0x400];
	[tilespmem:s1+$0x800] =	vst v4;
	s1 =	smov.u32 s14  }
0x99: {  	_ =	sdelay $0x2  }
0x9a: {  	v2 =	vshll.u32 v2, $0xA  }
0x9b: {  	v2 =	vadd.s32 v3, v2  }
0x9c: {  	s11 =	simm.s32 $0x800;
	s14 =	simm.s32 $0x10C00;
	[tilespmem:s1+$0x800] =	vst v2;
	s1 =	rddreg [dreg:$0x3]  }
0x9d: {  	[tilespmem:s14], [sflag:$0x11] =	stream.indirect.gather [hbm4b:s1+s16], $0x1, s11, s16, $0xb8;
	[tilespmem:$0x11480] =	vst v63  }
0x9e: {  	s17 =	simm.s32 $0x10C80;
	s14 =	simm.s32 $0x880  }
0x9f: {  	[tilespmem:s17], [sflag:$0x11] =	stream.indirect.gather [hbm4b:s1+s16], $0x1, s14, s16, $0xb8;
	[tilespmem:$0x11480] =	vst v63  }
0xa0: {  	s14 =	simm.s32 $0x900;
	s17 =	simm.s32 $0x10D00  }
0xa1: {  	[tilespmem:s17], [sflag:$0x11] =	stream.indirect.gather [hbm4b:s1+s16], $0x1, s14, s16, $0xb8;
	[tilespmem:$0x11480] =	vst v63  }
0xa2: {  	s14 =	simm.s32 $0x980;
	s17 =	simm.s32 $0x10D80  }
0xa3: {  	[tilespmem:s17], [sflag:$0x11] =	stream.indirect.gather [hbm4b:s1+s16], $0x1, s14, s16, $0xb8;
	[tilespmem:$0x11480] =	vst v63  }
0xa4: {  	s14 =	simm.s32 $0xA00;
	s17 =	simm.s32 $0x10E00  }
0xa5: {  	[tilespmem:s17], [sflag:$0x11] =	stream.indirect.gather [hbm4b:s1+s16], $0x1, s14, s16, $0xb8;
	[tilespmem:$0x11480] =	vst v63  }
0xa6: {  	s14 =	simm.s32 $0xA80;
	s17 =	simm.s32 $0x10E80  }
0xa7: {  	[tilespmem:s17], [sflag:$0x11] =	stream.indirect.gather [hbm4b:s1+s16], $0x1, s14, s16, $0xb8;
	[tilespmem:$0x11480] =	vst v63  }
0xa8: {  	s14 =	simm.s32 $0xB00;
	s17 =	simm.s32 $0x10F00  }
0xa9: {  	[tilespmem:s17], [sflag:$0x11] =	stream.indirect.gather [hbm4b:s1+s16], $0x1, s14, s16, $0xb8;
	[tilespmem:$0x11480] =	vst v63  }
0xaa: {  	s14 =	simm.s32 $0xB80;
	s17 =	simm.s32 $0x10F80  }
0xab: {  	[tilespmem:s17], [sflag:$0x11] =	stream.indirect.gather [hbm4b:s1+s16], $0x1, s14, s16, $0xb8;
	[tilespmem:$0x11480] =	vst v63  }
0xac: {  	s14 =	simm.s32 $0x0;
	s16 =	simm.s32 $0x78  }
.LBB2_4:
0xad: {  	_ =	swait.ge [sflag:s28], $0x2000  }
0xae: {  	s1 =	sadd.s32 s14, s13;
	[sflag:s28] =	ssyncset.done $0x0  }
0xaf: {  	s11 =	simm.s32 $0xC00;
	p0 =	seq.s32 s14, $0x1E000;
	[sflag:s28] =	ssyncadd.s32 $0xFFFFE000  }
0xb0: {  	[hbm4b:s1+s2] =	stream.linear.scatter [tilespmem:s11], [sflag:$0x9], $0x2000, $0x38;
	[tilespmem:$0x11480] =	vst v63  }
0xb1: {  	s11 =	simm.s32 @!p0 $0x9  }
0xb2: {  	_ =	swait.ge @!p0 [sflag:s11], $0x2000  }
0xb3: {  	[sflag:s11] =	ssyncset.done @!p0 $0x0  }
0xb4: {  	[sflag:s11] =	ssyncadd.s32 @!p0 $0xFFFFE000  }
0xb5: {  	v2 =	vld.msk @!p0 [tilespmem:s16+$0xFFFFFFC8], $0xff;
	_ =	sdelay $0x4  }
0xb6: {  	v3 =	vshll.u32 @!p0 v2, $0x3  }
0xb7: {  	v4 =	vlaneseq.u32 @!p0;
	v2 =	vand.u32 @!p0 $0x7, v2;
	v3 =	vand.u32 @!p0 $0xFFFFFFC0, v3  }
0xb8: {  	v3 =	vor.u32 @!p0 v2, v3;
	v2 =	vand.u32 @!p0 $0x7, v4;
	v4 =	vshrl.u32 @!p0 v4, $0x3  }
0xb9: {  	v5 =	vperm.xlane @!p0 v3, v2;
	v3 =	vmul.u32 @!p0 $0x8, v4;
	_ =	sdelay $0x1  }
0xba: {  	v4 =	vadd.s32 @!p0 v3, v5;
	_ =	sdelay $0x3  }
0xbb: {  	vm1 =	vmmov @!p0 $0xffff;
	s17 =	simm.s32 @!p0 $0xC00;
	s11 =	simm.s32 @!p0 $0x0  }
0xbc: {  	[tilespmem:s17], [sflag:$0x1] =	stream.indirect_vreg.gather @!p0 [hbm4b:s5+s11], $0x80, v4, vm1, $0xb8;
	[tilespmem:$0x11480] =	vst v63  }
0xbd: {  	s17 =	simm.s32 @!p0 $0x1400  }
0xbe: {  	[tilespmem:s17], [sflag:$0x1] =	stream.indirect_vreg.gather @!p0 [hbm4b:s7+s11], $0x80, v4, vm1, $0xb8;
	[tilespmem:$0x11480] =	vst v63  }
0xbf: {  	s17 =	simm.s32 @!p0 $0x1C00  }
0xc0: {  	[tilespmem:s17], [sflag:$0x1] =	stream.indirect_vreg.gather @!p0 [hbm4b:s8+s11], $0x80, v4, vm1, $0xb8;
	[tilespmem:$0x11480] =	vst v63  }
0xc1: {  	s17 =	simm.s32 @!p0 $0x2400  }
0xc2: {  	[tilespmem:s17], [sflag:$0x1] =	stream.indirect_vreg.gather @!p0 [hbm4b:s9+s11], $0x80, v4, vm1, $0xb8;
	[tilespmem:$0x11480] =	vst v63  }
0xc3: {  	_ =	swait.ge [sflag:s31], $0x2000  }
0xc4: {  	[sflag:s31] =	ssyncset.done $0x0  }
0xc5: {  	s17 =	sadd.s32 $0x400, s1;
	[sflag:s31] =	ssyncadd.s32 $0xFFFFE000  }
0xc6: {  	[hbm4b:s17+s2] =	stream.linear.scatter [tilespmem:s21], [sflag:$0xA], $0x2000, $0x38;
	[tilespmem:$0x11480] =	vst v63  }
0xc7: {  	s17 =	simm.s32 @!p0 $0xA  }
0xc8: {  	_ =	swait.ge @!p0 [sflag:s17], $0x2000  }
0xc9: {  	[sflag:s17] =	ssyncset.done @!p0 $0x0  }
0xca: {  	[sflag:s17] =	ssyncadd.s32 @!p0 $0xFFFFE000  }
0xcb: {  	v4 =	vld.msk @!p0 [tilespmem:s16+$0xFFFFFFD0], $0xff;
	_ =	sdelay $0x4  }
0xcc: {  	v5 =	vshll.u32 @!p0 v4, $0x3  }
0xcd: {  	v4 =	vand.u32 @!p0 $0x7, v4;
	v5 =	vand.u32 @!p0 $0xFFFFFFC0, v5  }
0xce: {  	v4 =	vor.u32 @!p0 v4, v5  }
0xcf: {  	v4 =	vperm.xlane @!p0 v4, v2;
	_ =	sdelay $0x1  }
0xd0: {  	v4 =	vadd.s32 @!p0 v3, v4;
	_ =	sdelay $0x3  }
0xd1: {  	s17 =	simm.s32 @!p0 $0x2C00  }
0xd2: {  	[tilespmem:s17], [sflag:$0x2] =	stream.indirect_vreg.gather @!p0 [hbm4b:s5+s11], $0x80, v4, vm1, $0xb8;
	[tilespmem:$0x11480] =	vst v63  }
0xd3: {  	s17 =	simm.s32 @!p0 $0x3400  }
0xd4: {  	[tilespmem:s17], [sflag:$0x2] =	stream.indirect_vreg.gather @!p0 [hbm4b:s7+s11], $0x80, v4, vm1, $0xb8;
	[tilespmem:$0x11480] =	vst v63  }
0xd5: {  	s17 =	simm.s32 @!p0 $0x3C00  }
0xd6: {  	[tilespmem:s17], [sflag:$0x2] =	stream.indirect_vreg.gather @!p0 [hbm4b:s8+s11], $0x80, v4, vm1, $0xb8;
	[tilespmem:$0x11480] =	vst v63  }
0xd7: {  	s17 =	simm.s32 @!p0 $0x4400  }
0xd8: {  	[tilespmem:s17], [sflag:$0x2] =	stream.indirect_vreg.gather @!p0 [hbm4b:s9+s11], $0x80, v4, vm1, $0xb8;
	[tilespmem:$0x11480] =	vst v63  }
0xd9: {  	_ =	swait.ge [sflag:s0], $0x2000  }
0xda: {  	[sflag:s0] =	ssyncset.done $0x0  }
0xdb: {  	s17 =	sadd.s32 $0x800, s1;
	[sflag:s0] =	ssyncadd.s32 $0xFFFFE000  }
0xdc: {  	[hbm4b:s17+s2] =	stream.linear.scatter [tilespmem:s25], [sflag:$0xB], $0x2000, $0x38;
	[tilespmem:$0x11480] =	vst v63  }
0xdd: {  	s17 =	simm.s32 @!p0 $0xB  }
0xde: {  	_ =	swait.ge @!p0 [sflag:s17], $0x2000  }
0xdf: {  	[sflag:s17] =	ssyncset.done @!p0 $0x0  }
0xe0: {  	[sflag:s17] =	ssyncadd.s32 @!p0 $0xFFFFE000  }
0xe1: {  	v4 =	vld.msk @!p0 [tilespmem:s16+$0xFFFFFFD8], $0xff;
	_ =	sdelay $0x4  }
0xe2: {  	v5 =	vshll.u32 @!p0 v4, $0x3  }
0xe3: {  	v4 =	vand.u32 @!p0 $0x7, v4;
	v5 =	vand.u32 @!p0 $0xFFFFFFC0, v5  }
0xe4: {  	v4 =	vor.u32 @!p0 v4, v5  }
0xe5: {  	v4 =	vperm.xlane @!p0 v4, v2;
	_ =	sdelay $0x1  }
0xe6: {  	v4 =	vadd.s32 @!p0 v3, v4;
	_ =	sdelay $0x3  }
0xe7: {  	s17 =	simm.s32 @!p0 $0x4C00  }
0xe8: {  	[tilespmem:s17], [sflag:$0x3] =	stream.indirect_vreg.gather @!p0 [hbm4b:s5+s11], $0x80, v4, vm1, $0xb8;
	[tilespmem:$0x11480] =	vst v63  }
0xe9: {  	s17 =	simm.s32 @!p0 $0x5400  }
0xea: {  	[tilespmem:s17], [sflag:$0x3] =	stream.indirect_vreg.gather @!p0 [hbm4b:s7+s11], $0x80, v4, vm1, $0xb8;
	[tilespmem:$0x11480] =	vst v63  }
0xeb: {  	s17 =	simm.s32 @!p0 $0x5C00  }
0xec: {  	[tilespmem:s17], [sflag:$0x3] =	stream.indirect_vreg.gather @!p0 [hbm4b:s8+s11], $0x80, v4, vm1, $0xb8;
	[tilespmem:$0x11480] =	vst v63  }
0xed: {  	s17 =	simm.s32 @!p0 $0x6400  }
0xee: {  	[tilespmem:s17], [sflag:$0x3] =	stream.indirect_vreg.gather @!p0 [hbm4b:s9+s11], $0x80, v4, vm1, $0xb8;
	[tilespmem:$0x11480] =	vst v63  }
0xef: {  	_ =	swait.ge [sflag:s3], $0x2000  }
0xf0: {  	[sflag:s3] =	ssyncset.done $0x0  }
0xf1: {  	s17 =	sadd.s32 $0xC00, s1;
	[sflag:s3] =	ssyncadd.s32 $0xFFFFE000  }
0xf2: {  	[hbm4b:s17+s2] =	stream.linear.scatter [tilespmem:s30], [sflag:$0xC], $0x2000, $0x38;
	[tilespmem:$0x11480] =	vst v63  }
0xf3: {  	s17 =	simm.s32 @!p0 $0xC  }
0xf4: {  	_ =	swait.ge @!p0 [sflag:s17], $0x2000  }
0xf5: {  	[sflag:s17] =	ssyncset.done @!p0 $0x0  }
0xf6: {  	[sflag:s17] =	ssyncadd.s32 @!p0 $0xFFFFE000  }
0xf7: {  	v4 =	vld.msk @!p0 [tilespmem:s16+$0xFFFFFFE0], $0xff;
	_ =	sdelay $0x4  }
0xf8: {  	v5 =	vshll.u32 @!p0 v4, $0x3  }
0xf9: {  	v4 =	vand.u32 @!p0 $0x7, v4;
	v5 =	vand.u32 @!p0 $0xFFFFFFC0, v5  }
0xfa: {  	v4 =	vor.u32 @!p0 v4, v5  }
0xfb: {  	v4 =	vperm.xlane @!p0 v4, v2;
	_ =	sdelay $0x1  }
0xfc: {  	v4 =	vadd.s32 @!p0 v3, v4;
	_ =	sdelay $0x3  }
0xfd: {  	s17 =	simm.s32 @!p0 $0x6C00  }
0xfe: {  	[tilespmem:s17], [sflag:$0x4] =	stream.indirect_vreg.gather @!p0 [hbm4b:s5+s11], $0x80, v4, vm1, $0xb8;
	[tilespmem:$0x11480] =	vst v63  }
0xff: {  	s17 =	simm.s32 @!p0 $0x7400  }
0x100: {  	[tilespmem:s17], [sflag:$0x4] =	stream.indirect_vreg.gather @!p0 [hbm4b:s7+s11], $0x80, v4, vm1, $0xb8;
	[tilespmem:$0x11480] =	vst v63  }
0x101: {  	s17 =	simm.s32 @!p0 $0x7C00  }
0x102: {  	[tilespmem:s17], [sflag:$0x4] =	stream.indirect_vreg.gather @!p0 [hbm4b:s8+s11], $0x80, v4, vm1, $0xb8;
	[tilespmem:$0x11480] =	vst v63  }
0x103: {  	s17 =	simm.s32 @!p0 $0x8400  }
0x104: {  	[tilespmem:s17], [sflag:$0x4] =	stream.indirect_vreg.gather @!p0 [hbm4b:s9+s11], $0x80, v4, vm1, $0xb8;
	[tilespmem:$0x11480] =	vst v63  }
0x105: {  	_ =	swait.ge [sflag:s4], $0x2000  }
0x106: {  	[sflag:s4] =	ssyncset.done $0x0  }
0x107: {  	s17 =	sadd.s32 $0x1000, s1;
	[sflag:s4] =	ssyncadd.s32 $0xFFFFE000  }
0x108: {  	[hbm4b:s17+s2] =	stream.linear.scatter [tilespmem:s18], [sflag:$0xD], $0x2000, $0x38;
	[tilespmem:$0x11480] =	vst v63  }
0x109: {  	s17 =	simm.s32 @!p0 $0xD  }
0x10a: {  	_ =	swait.ge @!p0 [sflag:s17], $0x2000  }
0x10b: {  	[sflag:s17] =	ssyncset.done @!p0 $0x0  }
0x10c: {  	[sflag:s17] =	ssyncadd.s32 @!p0 $0xFFFFE000  }
0x10d: {  	v4 =	vld.msk @!p0 [tilespmem:s16+$0xFFFFFFE8], $0xff;
	_ =	sdelay $0x4  }
0x10e: {  	v5 =	vshll.u32 @!p0 v4, $0x3  }
0x10f: {  	v4 =	vand.u32 @!p0 $0x7, v4;
	v5 =	vand.u32 @!p0 $0xFFFFFFC0, v5  }
0x110: {  	v4 =	vor.u32 @!p0 v4, v5  }
0x111: {  	v4 =	vperm.xlane @!p0 v4, v2;
	_ =	sdelay $0x1  }
0x112: {  	v4 =	vadd.s32 @!p0 v3, v4;
	_ =	sdelay $0x3  }
0x113: {  	s17 =	simm.s32 @!p0 $0x8C00  }
0x114: {  	[tilespmem:s17], [sflag:$0x5] =	stream.indirect_vreg.gather @!p0 [hbm4b:s5+s11], $0x80, v4, vm1, $0xb8;
	[tilespmem:$0x11480] =	vst v63  }
0x115: {  	s17 =	simm.s32 @!p0 $0x9400  }
0x116: {  	[tilespmem:s17], [sflag:$0x5] =	stream.indirect_vreg.gather @!p0 [hbm4b:s7+s11], $0x80, v4, vm1, $0xb8;
	[tilespmem:$0x11480] =	vst v63  }
0x117: {  	s17 =	simm.s32 @!p0 $0x9C00  }
0x118: {  	[tilespmem:s17], [sflag:$0x5] =	stream.indirect_vreg.gather @!p0 [hbm4b:s8+s11], $0x80, v4, vm1, $0xb8;
	[tilespmem:$0x11480] =	vst v63  }
0x119: {  	s17 =	simm.s32 @!p0 $0xA400  }
0x11a: {  	[tilespmem:s17], [sflag:$0x5] =	stream.indirect_vreg.gather @!p0 [hbm4b:s9+s11], $0x80, v4, vm1, $0xb8;
	[tilespmem:$0x11480] =	vst v63  }
0x11b: {  	_ =	swait.ge [sflag:s6], $0x2000  }
0x11c: {  	[sflag:s6] =	ssyncset.done $0x0  }
0x11d: {  	s17 =	sadd.s32 $0x1400, s1;
	[sflag:s6] =	ssyncadd.s32 $0xFFFFE000  }
0x11e: {  	[hbm4b:s17+s2] =	stream.linear.scatter [tilespmem:s23], [sflag:$0xE], $0x2000, $0x38;
	[tilespmem:$0x11480] =	vst v63  }
0x11f: {  	s17 =	simm.s32 @!p0 $0xE  }
0x120: {  	_ =	swait.ge @!p0 [sflag:s17], $0x2000  }
0x121: {  	[sflag:s17] =	ssyncset.done @!p0 $0x0  }
0x122: {  	[sflag:s17] =	ssyncadd.s32 @!p0 $0xFFFFE000  }
0x123: {  	v4 =	vld.msk @!p0 [tilespmem:s16+$0xFFFFFFF0], $0xff;
	_ =	sdelay $0x4  }
0x124: {  	v5 =	vshll.u32 @!p0 v4, $0x3  }
0x125: {  	v4 =	vand.u32 @!p0 $0x7, v4;
	v5 =	vand.u32 @!p0 $0xFFFFFFC0, v5  }
0x126: {  	v4 =	vor.u32 @!p0 v4, v5  }
0x127: {  	v4 =	vperm.xlane @!p0 v4, v2;
	_ =	sdelay $0x1  }
0x128: {  	v4 =	vadd.s32 @!p0 v3, v4;
	_ =	sdelay $0x3  }
0x129: {  	s17 =	simm.s32 @!p0 $0xAC00  }
0x12a: {  	[tilespmem:s17], [sflag:$0x6] =	stream.indirect_vreg.gather @!p0 [hbm4b:s5+s11], $0x80, v4, vm1, $0xb8;
	[tilespmem:$0x11480] =	vst v63  }
0x12b: {  	s17 =	simm.s32 @!p0 $0xB400  }
0x12c: {  	[tilespmem:s17], [sflag:$0x6] =	stream.indirect_vreg.gather @!p0 [hbm4b:s7+s11], $0x80, v4, vm1, $0xb8;
	[tilespmem:$0x11480] =	vst v63  }
0x12d: {  	s17 =	simm.s32 @!p0 $0xBC00  }
0x12e: {  	[tilespmem:s17], [sflag:$0x6] =	stream.indirect_vreg.gather @!p0 [hbm4b:s8+s11], $0x80, v4, vm1, $0xb8;
	[tilespmem:$0x11480] =	vst v63  }
0x12f: {  	s17 =	simm.s32 @!p0 $0xC400  }
0x130: {  	[tilespmem:s17], [sflag:$0x6] =	stream.indirect_vreg.gather @!p0 [hbm4b:s9+s11], $0x80, v4, vm1, $0xb8;
	[tilespmem:$0x11480] =	vst v63  }
0x131: {  	_ =	swait.ge [sflag:s15], $0x2000  }
0x132: {  	[sflag:s15] =	ssyncset.done $0x0  }
0x133: {  	s17 =	sadd.s32 $0x1800, s1;
	[sflag:s15] =	ssyncadd.s32 $0xFFFFE000  }
0x134: {  	[hbm4b:s17+s2] =	stream.linear.scatter [tilespmem:s29], [sflag:$0xF], $0x2000, $0x38;
	[tilespmem:$0x11480] =	vst v63  }
0x135: {  	s17 =	simm.s32 @!p0 $0xF  }
0x136: {  	_ =	swait.ge @!p0 [sflag:s17], $0x2000  }
0x137: {  	[sflag:s17] =	ssyncset.done @!p0 $0x0  }
0x138: {  	[sflag:s17] =	ssyncadd.s32 @!p0 $0xFFFFE000  }
0x139: {  	v4 =	vld.msk @!p0 [tilespmem:s16+$0xFFFFFFF8], $0xff;
	_ =	sdelay $0x4  }
0x13a: {  	v5 =	vshll.u32 @!p0 v4, $0x3  }
0x13b: {  	v4 =	vand.u32 @!p0 $0x7, v4;
	v5 =	vand.u32 @!p0 $0xFFFFFFC0, v5  }
0x13c: {  	v4 =	vor.u32 @!p0 v4, v5  }
0x13d: {  	v2 =	vperm.xlane @!p0 v4, v2;
	_ =	sdelay $0x1  }
0x13e: {  	v2 =	vadd.s32 @!p0 v3, v2;
	_ =	sdelay $0x3  }
0x13f: {  	s17 =	simm.s32 @!p0 $0xCC00  }
0x140: {  	[tilespmem:s17], [sflag:$0x7] =	stream.indirect_vreg.gather @!p0 [hbm4b:s5+s11], $0x80, v2, vm1, $0xb8;
	[tilespmem:$0x11480] =	vst v63  }
0x141: {  	s17 =	simm.s32 @!p0 $0xD400  }
0x142: {  	[tilespmem:s17], [sflag:$0x7] =	stream.indirect_vreg.gather @!p0 [hbm4b:s7+s11], $0x80, v2, vm1, $0xb8;
	[tilespmem:$0x11480] =	vst v63  }
0x143: {  	s17 =	simm.s32 @!p0 $0xDC00  }
0x144: {  	[tilespmem:s17], [sflag:$0x7] =	stream.indirect_vreg.gather @!p0 [hbm4b:s8+s11], $0x80, v2, vm1, $0xb8;
	[tilespmem:$0x11480] =	vst v63  }
0x145: {  	s17 =	simm.s32 @!p0 $0xE400  }
0x146: {  	[tilespmem:s17], [sflag:$0x7] =	stream.indirect_vreg.gather @!p0 [hbm4b:s9+s11], $0x80, v2, vm1, $0xb8;
	[tilespmem:$0x11480] =	vst v63  }
.Ltmp1:
0x147: {  	_ = 	snop;
	(pc) =	sbr.rel @p0 .LBB2_6-.Ltmp1, $4  }
0x148: {  	_ =	swait.ge [sflag:s10], $0x2000  }
0x149: {  	[sflag:s10] =	ssyncset.done $0x0  }
0x14a: {  	s1 =	sadd.s32 $0x1C00, s1;
	[sflag:s10] =	ssyncadd.s32 $0xFFFFE000  }
0x14b: {  	[hbm4b:s1+s2] =	stream.linear.scatter [tilespmem:s19], [sflag:$0x10], $0x2000, $0x38;
	[tilespmem:$0x11480] =	vst v63  }
0x14c: {  	_ =	swait.ge [sflag:s12], $0x2000  }
0x14d: {  	[sflag:s12] =	ssyncset.done $0x0  }
0x14e: {  	[sflag:s12] =	ssyncadd.s32 $0xFFFFE000  }
0x14f: {  	v2 =	vld.msk [tilespmem:s16+$0x0], $0xff;
	_ =	sdelay $0x4  }
0x150: {  	v3 =	vshll.u32 v2, $0x3  }
0x151: {  	v2 =	vand.u32 $0x7, v2;
	v3 =	vand.u32 $0xFFFFFFC0, v3  }
0x152: {  	v2 =	vor.u32 v2, v3  }
0x153: {  	v2 =	vperm.xlane v2, v0;
	_ =	sdelay $0x1  }
0x154: {  	v2 =	vadd.s32 v1, v2;
	_ =	sdelay $0x4  }
0x155: {  	[tilespmem:s19], [sflag:$0x8] =	stream.indirect_vreg.gather [hbm4b:s5+s2], $0x80, v2, vm0, $0xb8;
	[tilespmem:$0x11480] =	vst v63  }
0x156: {  	_ = 	snop  }
0x157: {  	[tilespmem:s20], [sflag:$0x8] =	stream.indirect_vreg.gather [hbm4b:s7+s2], $0x80, v2, vm0, $0xb8;
	[tilespmem:$0x11480] =	vst v63  }
.Ltmp2:
0x158: {  	_ = 	snop;
	(pc) =	sbr.rel .LBB2_4-.Ltmp2, $4  }
0x159: {  	_ = 	snop  }
0x15a: {  	[tilespmem:s22], [sflag:$0x8] =	stream.indirect_vreg.gather [hbm4b:s8+s2], $0x80, v2, vm0, $0xb8;
	[tilespmem:$0x11480] =	vst v63  }
0x15b: {  	s14 =	sadd.s32 $0x2000, s14;
	s16 =	sadd.s32 $0x40, s16  }
0x15c: {  	[tilespmem:s24], [sflag:$0x8] =	stream.indirect_vreg.gather [hbm4b:s9+s2], $0x80, v2, vm0, $0xb8;
	[tilespmem:$0x11480] =	vst v63  }
.LBB2_6:
0x15d: {  	s1 =	simm.s32 $0x9  }
0x15e: {  	_ =	swait.ge [sflag:s1], $0x2000  }
0x15f: {  	[sflag:s1] =	ssyncset.done $0x0  }
0x160: {  	s14 =	simm.s32 $0xA;
	[sflag:s1] =	ssyncadd.s32 $0xFFFFE000  }
0x161: {  	_ =	swait.ge [sflag:s14], $0x2000  }
0x162: {  	[sflag:s14] =	ssyncset.done $0x0  }
0x163: {  	s16 =	simm.s32 $0xB;
	[sflag:s14] =	ssyncadd.s32 $0xFFFFE000  }
0x164: {  	_ =	swait.ge [sflag:s16], $0x2000  }
0x165: {  	[sflag:s16] =	ssyncset.done $0x0  }
0x166: {  	s17 =	simm.s32 $0xC;
	[sflag:s16] =	ssyncadd.s32 $0xFFFFE000  }
0x167: {  	_ =	swait.ge [sflag:s17], $0x2000  }
0x168: {  	[sflag:s17] =	ssyncset.done $0x0  }
0x169: {  	s11 =	simm.s32 $0xD;
	[sflag:s17] =	ssyncadd.s32 $0xFFFFE000  }
0x16a: {  	_ =	swait.ge [sflag:s11], $0x2000  }
0x16b: {  	[sflag:s11] =	ssyncset.done $0x0  }
0x16c: {  	s14 =	simm.s32 $0xE;
	[sflag:s11] =	ssyncadd.s32 $0xFFFFE000  }
0x16d: {  	_ =	swait.ge [sflag:s14], $0x2000  }
0x16e: {  	[sflag:s14] =	ssyncset.done $0x0  }
0x16f: {  	s16 =	simm.s32 $0xF;
	[sflag:s14] =	ssyncadd.s32 $0xFFFFE000  }
0x170: {  	_ =	swait.ge [sflag:s16], $0x2000  }
0x171: {  	[sflag:s16] =	ssyncset.done $0x0  }
0x172: {  	[sflag:s16] =	ssyncadd.s32 $0xFFFFE000  }
0x173: {  	_ =	swait.ge [sflag:s12], $0x2000  }
0x174: {  	[sflag:s12] =	ssyncset.done $0x0  }
0x175: {  	s17 =	simm.s32 $0x11;
	[sflag:s12] =	ssyncadd.s32 $0xFFFFE000  }
0x176: {  	_ =	swait.ge [sflag:s17], $0x80  }
0x177: {  	[sflag:s17] =	ssyncset.done $0x0  }
0x178: {  	[sflag:s17] =	ssyncadd.s32 $0xFFFFFF80  }
0x179: {  	_ =	swait.ge [sflag:s17], $0x80  }
0x17a: {  	[sflag:s17] =	ssyncset.done $0x0  }
0x17b: {  	[sflag:s17] =	ssyncadd.s32 $0xFFFFFF80  }
0x17c: {  	_ =	swait.ge [sflag:s17], $0x80  }
0x17d: {  	[sflag:s17] =	ssyncset.done $0x0  }
0x17e: {  	[sflag:s17] =	ssyncadd.s32 $0xFFFFFF80  }
0x17f: {  	_ =	swait.ge [sflag:s17], $0x80  }
0x180: {  	[sflag:s17] =	ssyncset.done $0x0  }
0x181: {  	[sflag:s17] =	ssyncadd.s32 $0xFFFFFF80  }
0x182: {  	_ =	swait.ge [sflag:s17], $0x80  }
0x183: {  	[sflag:s17] =	ssyncset.done $0x0  }
0x184: {  	[sflag:s17] =	ssyncadd.s32 $0xFFFFFF80  }
0x185: {  	_ =	swait.ge [sflag:s17], $0x80  }
0x186: {  	[sflag:s17] =	ssyncset.done $0x0  }
0x187: {  	[sflag:s17] =	ssyncadd.s32 $0xFFFFFF80  }
0x188: {  	_ =	swait.ge [sflag:s17], $0x80  }
0x189: {  	[sflag:s17] =	ssyncset.done $0x0  }
0x18a: {  	[sflag:s17] =	ssyncadd.s32 $0xFFFFFF80  }
0x18b: {  	_ =	swait.ge [sflag:s17], $0x80  }
0x18c: {  	[sflag:s17] =	ssyncset.done $0x0  }
0x18d: {  	v2 =	vimm.f32 $0.0e+00;
	[sflag:s17] =	ssyncadd.s32 $0xFFFFFF80  }
0x18e: {  	s1 =	simm.s32 $0x40;
	s11 =	simm.s32 $0x0;
	[tilespmem:$0x11400] =	vst v2  }
.LBB2_7:
0x18f: {  	p0 =	sne.s32 s1, $0xFC0;
	v3 =	vld [tilespmem:s11+$0x0];
	_ =	sdelay $0x7  }
0x190: {  	v3 =	vld.idx.msk [tilespmem:v3+s26+$0x0], $0xffff  }
0x191: {  	v4 =	vld [tilespmem:s11+$0x10C00];
	_ =	sdelay $0x4  }
.Ltmp3:
0x192: {  	v3 =	vsub.f32 v3, v4;
	(pc) =	sbr.rel @p0 .LBB2_7-.Ltmp3, $3  }
0x193: {  	_ = 	snop  }
0x194: {  	v2 =	vadd.f32 v3, v2;
	_ =	sdelay $0x1  }
0x195: {  	s11 =	sshra.s32 s1, $0x2;
	s1 =	sadd.s32 $0x40, s1;
	[tilespmem:$0x11400] =	vst v2  }
0x196: {  	v3 =	vld [tilespmem:s11+$0x0];
	_ =	sdelay $0x6  }
0x197: {  	v4 =	vld [tilespmem:s11+$0x10C00]  }
0x198: {  	v3 =	vld.idx.msk [tilespmem:v3+s26+$0x0], $0xffff;
	_ =	sdelay $0x4  }
0x199: {  	v3 =	vsub.f32 v3, v4;
	_ =	sdelay $0x1  }
0x19a: {  	v2 =	vadd.f32 v3, v2;
	_ =	sdelay $0x1  }
0x19b: {  	s1 =	rddreg [dreg:$0x8];
	s14 =	simm.s32 $0x11400;
	[tilespmem:$0x11400] =	vst v2  }
0x19c: {  	[hbm4b:s1+s2] =	stream.linear.scatter [tilespmem:s14], [sflag:$0x12], $0x80, $0x38;
	[tilespmem:$0x11480] =	vst v63  }
0x19d: {  	s14 =	simm.s32 $0x12  }
0x19e: {  	_ =	swait.ge [sflag:s14], $0x80  }
0x19f: {  	s16 =	rddreg [dreg:$0xa]  }
0x1a0: {  	s17 =	rddreg [dreg:$0x9];
	s11 =	sadd.s32 $0x1, s16  }
0x1a1: {  	p0 =	sne.s32 s11, s17  }
.Ltmp4:
0x1a2: {  	_ = 	snop;
	(pc) =	sbr.rel @p0 .LBB2_1-.Ltmp4, $3  }
0x1a3: {  	_ =	sdelay $0x1  }
0x1a4: {  	[sflag:s14] =	ssyncset.done $0x0  }
0x1a5: {  	[sflag:s14] =	ssyncadd.s32 $0xFFFFFF80;
	s16 =	simm.s32 $0x80  }
0x1a6: {  	_ =	sfence.sel $0x180000  }
0x1a7: {  	[bflag:$0x0] =	sbarrier.arrive $0xFFFF  }
0x1a8: {  	_ =	strace $0x90000047  }
0x1a9: {  	s0 =	stileid.u32;
	[bflag:$0x2] =	sbarrier.arrive $0xFFFF  }
0x1aa: {  	p0 =	sne.s32 s0, $0x0;
	s0 =	rddreg [dreg:$0x4]  }
0x1ab: {  	s0 =	sadd.s32 @!p0 $0x100000, s0  }
0x1ac: {  	[sflag:s0] =	ssyncadd.tile.s32 @!p0 $0x1;
	_ =	shalt  }
.Lfunc_end2:
_tile_overlayer_lowered:
.L_overlay_start_2:
0x1ad: {  	(tag) =	ssettag $0x2  }
0x1ae: {  	s0 =	rddreg [dreg:$0x0];
	s2 =	stileid.u32  }
0x1af: {  	s1 =	rddreg [dreg:$0x1];
	p0 =	sne.s32 s2, $0x0  }
0x1b0: {  	s3 =	rddreg [dreg:$0x2];
	[bflag:$0x3] =	sbarrier.arrive $0xFFFF;
	s2 =	simm.s32 @!p0 $0x1C12  }
0x1b1: {  	[timem:s3], [sflag:s2] =	dma.local @!p0 [hbm:s0], s1  }
0x1b2: {  	s0 =	simm.s32 @!p0 $0x12  }
0x1b3: {  	_ =	swait.ge @!p0 [sflag:s0], s1  }
0x1b4: {  	s1 =	ssub.s32 @!p0 $0x0, s1;
	[sflag:s0] =	ssyncset.done @!p0 $0x0  }
0x1b5: {  	[sflag:s0] =	ssyncadd.s32 @!p0 s1  }
0x1b6: {  	[bflag:$0x3] =	sbarrier.arrive $0xFFFF  }
0x1b7: {  	_ =	shalt  }

// kernel: sparse-core-data-format-call.cloned.1.call-start
scs
called_computation_lowered:
.L_overlay_start_0:
0x0: {  	s2 =	sld [smem:$0x3FD9]  }
0x1: {  	s3 =	sld [smem:$0x3FFE];
	_ =	sdelay $0x1  }
0x2: {  	s1 =	srdreg.scid  }
0x3: {  	s0 =	sand.u32 $0x1, s1  }
0x4: {  	s15 =	sshll.u32 s0, $0xA;
	s2 =	sadd.s32 s3, s2  }
0x5: {  	s2 =	sadd.s32 s2, s15  }
0x6: {  	[smem:$0x3FC5] =	sst s2  }
0x7: {  	_ = 	snop  }
0x8: {  	s2 =	sld [smem:$0x3FD0];
	_ =	sdelay $0x2  }
0x9: {  	s16 =	simm.s32 $0xA;
	s4 =	simm.s32 $0x10  }
0xa: {  	[smem:s4], [sflag:s16] =	dma.local [hbm:s2], $0x1  }
0xb: {  	_ =	swait.eq [sflag:s16], $0x1  }
0xc: {  	[sflag:s16] =	ssyncset.done $0x0  }
0xd: {  	[sflag:s16] =	ssyncadd.s32 $0xFFFFFFFF  }
0xe: {  	s17 =	sld [smem:$0x10];
	(tm) =	ssettm $0x1  }
0xf: {  	s18 =	sld [smem:$0x3FFB];
	_ =	sdelay $0x3  }
0x10: {  	_ =	strace s18  }
0x11: {  	s3 =	sld [smem:$0x3FFC];
	_ =	sdelay $0x3  }
0x12: {  	_ =	strace s3  }
0x13: {  	s3 =	sld [smem:$0x3FFD];
	_ =	sdelay $0x3  }
0x14: {  	_ =	strace s3  }
0x15: {  	_ =	strace $0x8FFFFFFF  }
0x16: {  	s19 =	sld [smem:$0x3FDB];
	_ =	sdelay $0x1  }
0x17: {  	s20 =	simm.s32 $_scs_section_size  }
0x18: {  	s5 =	simm.s32 $_size__tile_overlayer_lowered;
	s6 =	simm.s32 $_tile_overlayer_lowered  }
0x19: {  	s23 =	simm.s32 $0x1BFF;
	s22 =	sshll.u32 s6, $0x1;
	s3 =	sadd.s32 s20, s19  }
0x1a: {  	s7 =	simm.s32 $0x0;
	s21 =	sshll.u32 s5, $0x1;
	s5 =	sadd.s32 s22, s3  }
0x1b: {  	[timem:s7], [sflag:s23] =	dma.local [hbm:s5], s21  }
0x1c: {  	_ =	swait.ge [sflag:s23], s21  }
0x1d: {  	s4 =	ssub.s32 $0x0, s21;
	[sflag:s23] =	ssyncset.done $0x0  }
0x1e: {  	[sflag:s23] =	ssyncadd.s32 s4;
	_ =	sdelay $0x1  }
0x1f: {  	s24 =	simm.s32 $0x1B8B  }
0x20: {  	_ =	swait.ge [sflag:s24], $0x1  }
0x21: {  	[sflag:s24] =	ssyncset.done $0x0  }
0x22: {  	s26 =	simm.s32 $0x1B8E;
	s25 =	sld [smem:$0x3FFE];
	[sflag:s24] =	ssyncadd.s32 $0xFFFFFFFF  }
0x23: {  	s27 =	simm.s32 $execute0_lowered;
	[smem:$0x3FD2] =	sst s26  }
0x24: {  	s5 =	sshll.u32 s27, $0x1;
	_ =	strace $0x80000049;
	[dreg:$0x1] =	wrdreg $0xFFFFFFFF  }
0x25: {  	s28 =	simm.s32 $_size_execute0_lowered;
	s3 =	sadd.s32 s3, s5;
	[dreg:$0x0] =	wrdreg $0x0  }
0x26: {  	s5 =	sshll.u32 s28, $0x1;
	[dreg:$0x2] =	wrdreg s3  }
0x27: {  	[dreg:$0x3] =	wrdreg s5  }
0x28: {  	[dreg:$0x4] =	wrdreg $0xC0  }
0x29: {  	_ =	task [dreg:s7], $0x5FFFF  }
0x2a: {  	[dreg:$0x1] =	wrdreg $0xFFFFFFFF  }
0x2b: {  	[dreg:$0x0] =	wrdreg $0x60  }
0x2c: {  	[dreg:$0x2] =	wrdreg s25  }
0x2d: {  	[dreg:$0x3] =	wrdreg s17  }
0x2e: {  	[dreg:$0x4] =	wrdreg $0x9  }
0x2f: {  	_ =	task.clear_ibuf [dreg:s7], $0x5FFFF;
	_ =	strace $0x90000049  }
0x30: {  	s29 =	simm.s32 $0x9;
	_ =	strace $0x8000004B  }
0x31: {  	_ =	swait.ge [sflag:s29], $0x1  }
0x32: {  	[sflag:s29] =	ssyncadd.s32 $0xFFFFFFFF  }
0x33: {  	_ =	strace $0x9000004B  }
0x34: {  	_ =	sfence  }
0x35: {  	s30 =	sld [smem:$0x0];
	_ =	sdelay $0x2  }
0x36: {  	s31 =	sshll.u32 s1, $0xD;
	s1 =	sshrl.u32 s1, $0x2  }
0x37: {  	s3 =	sand.u32 $0x4000, s31;
	s1 =	sadd.s32 s1, s30  }
0x38: {  	s0 =	sor.u32 s3, s0;
	s1 =	sshll.u32 s1, $0x11  }
0x39: {  	s0 =	sor.u32 s1, s0  }
0x3a: {  	s0 =	sadd.s32 $0x8F2B, s0  }
0x3b: {  	[sflag:s0] =	ssyncadd.remote.s32 $0x1  }
0x3c: {  	_ =	sfence.sel $0xFFFF  }
0x3d: {  	[dreg:$0x0] =	wrdreg $0xFFFFFFFF;
	(pc) =	sbr.abs _section_cstart, $3  }
0x3e: {  	[dreg:$0x1] =	wrdreg $0xFFFFFFFF  }
0x3f: {  	_ =	task.clear_ibuf [dreg:s7], $0x2FFFF;
	_ =	strace $0x9FFFFFFF  }
0x40: {  	(tm) =	ssettm $0x7FFFFFFF  }
0x41: {  	_ =	shalt  }
tec
execute0_lowered:
.L_overlay_start_1:
0x0: {  	(tag) =	ssettag $0x1  }
0x1: {  	s1 =	rddreg [dreg:$0x0]  }
0x2: {  	s2 =	rddreg [dreg:$0x1]  }
0x3: {  	s0 =	rddreg [dreg:$0x2]  }
0x4: {  	s4 =	srdreg.scid;
	_ =	strace $0x8000004A;
	s6 =	simm.s32 $0x2  }
0x5: {  	s14 =	simm.s32 $0x0;
	p0 =	por $0x0, $0x0;
	s15 =	simm.s32 $0x0  }
0x6: {  	s16 =	simm.s32 $0x0;
	s7 =	simm.s32 $0x0;
	s9 =	simm.s32 $0x0  }
.Ltmp0:
0x7: {  	s10 =	simm.s32 $0x0;
	s11 =	simm.s32 $0x0;
	(pc) =	sbr.rel .LBB1_1-.Ltmp0, $4  }
0x8: {  	s12 =	simm.s32 $0x0;
	s3 =	sadd.s32 $0x20C00, s1;
	s4 =	sshll.u32 s4, $0x4  }
0x9: {  	s1 =	stileid.u32;
	s5 =	sand.u32 $0x10, s4;
	s4 =	simm.s32 $0x1  }
0xa: {  	s8 =	simm.s32 $0x0;
	s5 =	sor.u32 s1, s5;
	[sflag:s4] =	ssyncpa.u1 $0x0  }
0xb: {  	[sflag:s6] =	ssyncpa.u1 $0x0;
	s6 =	simm.s32 $0x2000;
	s13 =	smov.u32 s5  }
.LBB1_5:
0xc: {  	p1 =	slt.u32 s8, $0x2  }
0xd: {  	p2 =	sgt.s32 @!p1 s16, $0x1F  }
0xe: {  	s17 =	smov.u32 s16;
	s18 =	sshra.s32 @!p1 s16, $0x1F;
	p2 =	por !p2, p1  }
0xf: {  	s16 =	sand.u32 @!p1 s18, s16;
	s17 =	simm.s32 @p2 $0x1F  }
0x10: {  	p3 =	sgt.s32 @!p1 s15, $0x380;
	s16 =	ssub.s32 @!p1 s17, s16  }
0x11: {  	p3 =	por !p3, p1;
	s18 =	sshra.s32 @!p1 s15, $0x1F;
	s17 =	sadd.s32 @!p1 $0xFFFFFFE1, s16  }
0x12: {  	s16 =	ssub.s32 @!p1 $0x20, s16;
	p2 =	sgt.s32 @!p1 s17, $0x0;
	s17 =	smov.u32 s15  }
0x13: {  	s15 =	sand.u32 @!p1 s18, s15;
	s17 =	simm.s32 @p3 $0x380;
	p3 =	sgt.s32 @!p1 s14, $0x368  }
0x14: {  	s18 =	smov.u32 s14;
	p2 =	por !p2, p1;
	p3 =	por !p3, p1  }
0x15: {  	s15 =	ssub.s32 @!p1 s17, s15;
	s17 =	sshra.s32 @!p1 s14, $0x1F;
	s16 =	simm.s32 @!p2 $0x0  }
0x16: {  	s18 =	simm.s32 @p3 $0x368;
	s14 =	sand.u32 @!p1 s17, s14;
	s17 =	sadd.s32 @!p1 $0xFFFFFC80, s15  }
0x17: {  	s15 =	ssub.s32 @!p1 $0x400, s15;
	s14 =	ssub.s32 @!p1 s18, s14;
	p2 =	sgt.s32 @!p1 s17, $0x7F  }
0x18: {  	s18 =	smov.u32 s12;
	s17 =	sadd.s32 @!p1 $0xFFFFFC98, s14;
	p2 =	por !p2, p1  }
0x19: {  	s14 =	ssub.s32 @!p1 $0x3E8, s14;
	p3 =	sgt.s32 @!p1 s17, $0x7F;
	s15 =	simm.s32 @!p2 $0x0  }
0x1a: {  	s17 =	sadd.s32 $0x80, s11;
	p2 =	por !p3, p1;
	s15 =	smul.u32 @!p1 s16, s15  }
0x1b: {  	s16 =	sadd.s32 $0x80, s12;
	s14 =	simm.s32 @!p2 $0x0;
	p2 =	sgt.s32 s17, $0x3E7  }
0x1c: {  	s19 =	smov.u32 s13;
	s18 =	smov.u32 @p2 s16  }
0x1d: {  	s14 =	smul.u32 @!p1 s14, s15;
	s15 =	sadd.s32 $0x20, s13;
	p3 =	sgt.s32 s18, $0x3FF  }
0x1e: {  	s8 =	sadd.s32 $0x1, s8;
	p0 =	por !p0, !p0;
	s19 =	smov.u32 @p3 s15  }
0x1f: {  	s20 =	simm.s32 @!p1 $0x2;
	s17 =	simm.s32 @p2 $0x0;
	p2 =	sgt.s32 s19, $0x1F  }
0x20: {  	s16 =	smov.u32 s10;
	s19 =	smov.u32 @p2 s5;
	p2 =	sne.s32 s8, $0x42  }
.Ltmp1:
0x21: {  	s10 =	smov.u32 s13;
	s14 =	sand.u32 @!p1 $0x3FFFFFFF, s14;
	(pc) =	sbr.rel @!p2 .LBB1_6-.Ltmp1, $4  }
0x22: {  	s18 =	simm.s32 @p3 $0x0;
	s15 =	smov.u32 s9;
	s9 =	smov.u32 s12  }
0x23: {  	_ =	swait.ge @!p1 [sflag:s20], s14;
	s21 =	ssub.s32 @!p1 $0x0, s14;
	s14 =	smov.u32 s7  }
0x24: {  	s7 =	smov.u32 s11;
	s11 =	smov.u32 s17;
	[sflag:s20] =	ssyncset.done @!p1 $0x0  }
0x25: {  	s12 =	smov.u32 s18;
	[sflag:s20] =	ssyncadd.s32 @!p1 s21;
	s13 =	smov.u32 s19  }
.LBB1_1:
0x26: {  	p1 =	sgt.u32 s8, $0x3F  }
0x27: {  	s17 =	sshll.u32 @!p1 s12, $0x7  }
0x28: {  	s18 =	sxor.u32 @!p1 $0xFFFFFFFF, s8;
	s19 =	sand.u32 @!p1 $0x78, s11;
	s20 =	sand.u32 @!p1 $0x380, s17  }
0x29: {  	s18 =	sshll.u32 @!p1 s18, $0xE;
	s19 =	sor.u32 @!p1 s19, s20;
	s20 =	sshll.u32 @!p1 s13, $0x11  }
0x2a: {  	s17 =	sand.u32 @!p1 $0x1FC00, s17;
	s19 =	sshrl.u32 @!p1 s19, $0x3;
	s20 =	sadd.s32 @!p1 s3, s20  }
0x2b: {  	s17 =	sadd.s32 @!p1 s11, s17;
	s19 =	sadd.s32 @!p1 s19, s20;
	s20 =	sand.u32 @!p1 $0x7, s11  }
0x2c: {  	s18 =	sand.u32 @!p1 $0x4000, s18;
	s17 =	sand.u32 @!p1 $0x1FF80, s17;
	s20 =	sshll.u32 @!p1 s20, $0x12  }
0x2d: {  	s17 =	sadd.s32 @!p1 s17, s19;
	s19 =	sor.u32 @!p1 $0x400, s20;
	s20 =	simm.s32 @!p1 $0x2000  }
0x2e: {  	[tilespmem:s18], [sflag:$0x1] =	stream.strided.gather @!p1 [hbm4b:s17+s19], $0x4000, s20, s19, $0x38;
	[tilespmem:$0x10100] =	vst v63  }
0x2f: {  	p1 =	seq.s32 s8, $0x0  }
0x30: {  	p2 =	seq.s32 @!p1 s8, $0x41  }
0x31: {  	p1 =	por p1, p2  }
.Ltmp2:
0x32: {  	_ = 	snop;
	(pc) =	sbr.rel @p1 .LBB1_5-.Ltmp2, $1  }
0x33: {  	_ =	sdelay $0x3  }
0x34: {  	s17 =	simm.s32 $0x1  }
0x35: {  	_ =	swait.ge [sflag:s4], $0x4000;
	s17 =	simm.s32 @!p0 $0x0  }
0x36: {  	[sflag:s4] =	ssyncset.done $0x0;
	s18 =	sshll.u32 s17, $0xE  }
0x37: {  	[sflag:s4] =	ssyncadd.s32 $0xFFFFC000;
	s18 =	sor.u32 $0x40, s18  }
0x38: {  	s17 =	smul.u32 $0x10200, s17;
	v0 =	vld [tilespmem:s18+$0x30]  }
0x39: {  	v1 =	vld [tilespmem:s18+$0xFFFFFFD0]  }
0x3a: {  	s17 =	sshrl.u32 s17, $0x2;
	v5 =	vld [tilespmem:s18+$0xFFFFFFE0]  }
0x3b: {  	v6 =	vld [tilespmem:s18+$0xFFFFFFF0];
	s20 =	sor.u32 $0x8000, s17  }
0x3c: {  	s31 =	sand.u32 $0x1, s8;
	v4 =	vld [tilespmem:s18+$0x0];
	s19 =	sadd.s32 $0x0, s20  }
0x3d: {  	v3 =	vld [tilespmem:s18+$0x10];
	s17 =	smul.u32 $0x10200, s31;
	[tilespmem:s19+$0x3870 ss:$0x81] =	vst.msk $0xffff, v0  }
0x3e: {  	v2 =	vld [tilespmem:s18+$0x20];
	[tilespmem:s19+$0x810 ss:$0x81] =	vst.msk $0xffff, v1  }
0x3f: {  	s17 =	sshrl.u32 s17, $0x2;
	v1 =	vld [tilespmem:s18+$0xFFFFFFC0];
	[tilespmem:s19+$0x1020 ss:$0x81] =	vst.msk $0xffff, v5;
	s18 =	sadd.s32 $0x80, s18  }
0x40: {  	s21 =	simm.s32 $0x4;
	s22 =	simm.s32 $0x8;
	s17 =	sor.u32 $0x8000, s17;
	[tilespmem:s19+$0x1830 ss:$0x81] =	vst.msk $0xffff, v6;
	v0 =	vld [tilespmem:s18+$0x30]  }
.LBB1_3:
0x41: {  	p1 =	sne.s32 s22, $0x1FC;
	v5 =	vld [tilespmem:s18+$0xFFFFFFD0];
	[tilespmem:s19+$0x2040 ss:$0x81] =	vst.msk $0xffff, v4  }
0x42: {  	v6 =	vld [tilespmem:s18+$0xFFFFFFE0];
	[tilespmem:s19+$0x2850 ss:$0x81] =	vst.msk $0xffff, v3  }
0x43: {  	s23 =	sshra.s32 s21, $0x2;
	s21 =	smov.u32 s22;
	v7 =	vld [tilespmem:s18+$0xFFFFFFF0];
	[tilespmem:s19+$0x3060 ss:$0x81] =	vst.msk $0xffff, v2  }
.Ltmp3:
0x44: {  	v4 =	vld [tilespmem:s18+$0x0];
	[tilespmem:s19+$0x0 ss:$0x81] =	vst.msk $0xffff, v1;
	s19 =	sadd.s32 s23, s20;
	(pc) =	sbr.rel @p1 .LBB1_3-.Ltmp3, $4  }
0x45: {  	v3 =	vld [tilespmem:s18+$0x10];
	[tilespmem:s19+$0x3870 ss:$0x81] =	vst.msk $0xffff, v0  }
0x46: {  	[tilespmem:s19+$0x810 ss:$0x81] =	vst.msk $0xffff, v5;
	v2 =	vld [tilespmem:s18+$0x20]  }
0x47: {  	v1 =	vld [tilespmem:s18+$0xFFFFFFC0];
	[tilespmem:s19+$0x1020 ss:$0x81] =	vst.msk $0xffff, v6;
	s18 =	sadd.s32 $0x80, s18  }
0x48: {  	s22 =	sadd.s32 $0x4, s22;
	v0 =	vld [tilespmem:s18+$0x30];
	[tilespmem:s19+$0x1830 ss:$0x81] =	vst.msk $0xffff, v7  }
0x49: {  	s22 =	sshll.u32 s7, $0xA  }
0x4a: {  	s21 =	sshra.s32 s21, $0x2;
	s23 =	sshll.u32 s9, $0x3;
	p1 =	sgt.s32 s10, $0x1F  }
0x4b: {  	s24 =	smov.u32 s10;
	s25 =	sshra.s32 s10, $0x1F;
	p2 =	sgt.s32 s9, $0x380  }
0x4c: {  	s28 =	sshra.s32 s9, $0x1F;
	s26 =	sshra.s32 s7, $0x1F;
	s22 =	sand.u32 $0xFFFFE000, s22  }
0x4d: {  	s23 =	sand.u32 $0xFFFFFC00, s23;
	s24 =	simm.s32 @!p1 $0x1F;
	s25 =	sand.u32 s25, s10  }
0x4e: {  	s20 =	sadd.s32 s21, s20;
	s26 =	sand.u32 s26, s7;
	s30 =	sadd.s32 s23, s22  }
0x4f: {  	v5 =	vld [tilespmem:s18+$0xFFFFFFD0];
	[tilespmem:s19+$0x2040 ss:$0x81] =	vst.msk $0xffff, v4;
	s31 =	ssub.s32 s24, s25;
	s24 =	smov.u32 s9;
	s25 =	smov.u32 s7  }
0x50: {  	v58 =	vld [tilespmem:s18+$0xFFFFFFE0];
	[tilespmem:s19+$0x2850 ss:$0x81] =	vst.msk $0xffff, v3;
	s23 =	sand.u32 s28, s9;
	s28 =	smul.u32 $0x1F400, s10;
	s21 =	sshrl.u32 s30, $0xA  }
0x51: {  	v59 =	vld [tilespmem:s18+$0xFFFFFFF0];
	[tilespmem:s19+$0x3060 ss:$0x81] =	vst.msk $0xffff, v2;
	s27 =	sadd.s32 $0xFFFFFFE1, s31;
	s24 =	simm.s32 @!p2 $0x380;
	p2 =	sgt.s32 s7, $0x368  }
0x52: {  	v60 =	vld [tilespmem:s18+$0x0];
	[tilespmem:s19+$0x0 ss:$0x81] =	vst.msk $0xffff, v1;
	s19 =	ssub.s32 $0x20, s31;
	p1 =	sgt.s32 s27, $0x0;
	s25 =	simm.s32 @!p2 $0x368  }
0x53: {  	v61 =	vld [tilespmem:s18+$0x10];
	s23 =	ssub.s32 s24, s23;
	s29 =	smulhi.u32 $0x418938, s21;
	s27 =	sshll.u32 s7, $0x7  }
0x54: {  	v62 =	vld [tilespmem:s18+$0x20];
	s25 =	ssub.s32 s25, s26;
	s30 =	sadd.s32 $0xFFFFFC80, s23;
	s22 =	ssub.s32 $0x400, s23  }
0x55: {  	v63 =	vld [tilespmem:s18+$0xFFFFFFC0];
	[tilespmem:s20+$0x3870 ss:$0x81] =	vst.msk $0xffff, v0;
	s19 =	simm.s32 @p1 $0x0;
	s26 =	sand.u32 $0x78, s9;
	s18 =	sand.u32 $0x380, s27  }
0x56: {  	[tilespmem:s20+$0x810 ss:$0x81] =	vst.msk $0xffff, v5;
	p2 =	sgt.s32 s30, $0x7F;
	s31 =	sadd.s32 $0xFFFFFC98, s25;
	s24 =	smul.u32 $0x3E8, s29  }
0x57: {  	[tilespmem:s20+$0x1020 ss:$0x81] =	vst.msk $0xffff, v58;
	s25 =	ssub.s32 $0x3E8, s25;
	s18 =	sor.u32 s26, s18;
	s22 =	simm.s32 @p2 $0x0  }
0x58: {  	[tilespmem:s20+$0x1830 ss:$0x81] =	vst.msk $0xffff, v59;
	s29 =	sand.u32 $0x7, s9;
	p1 =	sgt.s32 s31, $0x7F;
	s19 =	smul.u32 s19, s22  }
.Ltmp4:
0x59: {  	[tilespmem:s20+$0x2040 ss:$0x81] =	vst.msk $0xffff, v60;
	s18 =	sshrl.u32 s18, $0x3;
	s25 =	simm.s32 @p1 $0x0;
	(pc) =	sbr.rel .LBB1_5-.Ltmp4, $4  }
0x5a: {  	[tilespmem:s20+$0x2850 ss:$0x81] =	vst.msk $0xffff, v61;
	s21 =	ssub.s32 s21, s24;
	s22 =	sadd.s32 s2, s28;
	s19 =	smul.u32 s25, s19  }
0x5b: {  	[tilespmem:s20+$0x3060 ss:$0x81] =	vst.msk $0xffff, v62;
	s30 =	sshll.u32 s29, $0x12;
	s21 =	sshll.u32 s21, $0x7;
	s18 =	sadd.s32 s18, s22  }
0x5c: {  	[tilespmem:s20+$0x0 ss:$0x81] =	vst.msk $0xffff, v63;
	s31 =	sor.u32 $0x400, s30;
	s18 =	sadd.s32 s21, s18;
	s19 =	sand.u32 $0x3FFFFFFF, s19  }
0x5d: {  	[hbm4b:s18+s31] =	stream.strided.scatter [tilespmem:s17], [sflag:$0x2], s19, s6, s31, $0x20;
	[tilespmem:$0x10100] =	vst v63  }
.LBB1_6:
0x5e: {  	_ =	sfence.sel $0x180000  }
0x5f: {  	s2 =	simm.s32 $0x1;
	[bflag:$0x0] =	sbarrier.arrive $0xFFFF  }
0x60: {  	s31 =	simm.s32 $0x2;
	[sflag:s2] =	ssyncpa.u1 $0x1  }
0x61: {  	[sflag:s31] =	ssyncpa.u1 $0x1  }
0x62: {  	p0 =	sne.s32 s1, $0x0;
	_ =	strace $0x9000004A  }
0x63: {  	s0 =	sadd.s32 @!p0 $0x100000, s0;
	[bflag:$0x2] =	sbarrier.arrive $0xFFFF  }
0x64: {  	[sflag:s0] =	ssyncadd.tile.s32 @!p0 $0x1;
	_ =	shalt  }
.Lfunc_end1:
_tile_overlayer_lowered:
.L_overlay_start_2:
0x65: {  	(tag) =	ssettag $0x2  }
0x66: {  	s0 =	rddreg [dreg:$0x0];
	s2 =	stileid.u32  }
0x67: {  	s1 =	rddreg [dreg:$0x1];
	p0 =	sne.s32 s2, $0x0  }
0x68: {  	s3 =	rddreg [dreg:$0x2];
	[bflag:$0x3] =	sbarrier.arrive $0xFFFF;
	s2 =	simm.s32 @!p0 $0x1C01  }
0x69: {  	[timem:s3], [sflag:s2] =	dma.local @!p0 [hbm:s0], s1  }
0x6a: {  	s0 =	simm.s32 @!p0 $0x1  }
0x6b: {  	_ =	swait.ge @!p0 [sflag:s0], s1  }
0x6c: {  	s1 =	ssub.s32 @!p0 $0x0, s1;
	[sflag:s0] =	ssyncset.done @!p0 $0x0  }
0x6d: {  	[sflag:s0] =	ssyncadd.s32 @!p0 s1  }
0x6e: {  	[bflag:$0x3] =	sbarrier.arrive $0xFFFF  }
0x6f: {  	_ =	shalt  }

</sc_bundles>
